<compile_context>
chip_gen: v7x
topology: tpu7x:2x2x1
jax: 0.10.2.dev20260603
libtpu: 0.0.44.dev20260713+nightly
codegen_flags: <defaults>
</compile_context>

<pallas_src>
import functools

import jax
import jax.numpy as jnp
from jax import lax
from jax.experimental import pallas as pl
from jax.experimental.pallas import tpu as pltpu
from jax.experimental.pallas import tpu_sc as plsc

_info = plsc.get_sparse_core_info()
_NC, _NS, _NL = _info.num_cores, _info.num_subcores, _info.num_lanes
_NW = _NC * _NS

_CHUNK = 256
_NBUF = 4


def _gather_rows(table, idx, idx2_shape):
    V, D = table.shape
    B = idx.shape[0]
    b_per_w = B // _NW
    n_chunks = b_per_w // _CHUNK
    assert B % (_NW * _CHUNK) == 0 and n_chunks % _NBUF == 0
    mesh = plsc.VectorSubcoreMesh(core_axis_name="c", subcore_axis_name="s")

    T, Bt = idx2_shape
    @functools.partial(
        pl.kernel,
        mesh=mesh,
        compiler_params=pltpu.CompilerParams(use_tc_tiling_on_sc=False),
        out_type=jax.ShapeDtypeStruct((T, Bt, D), jnp.float32),
        scratch_types=(
            [pltpu.VMEM((b_per_w,), jnp.int32)]
            + [pltpu.VMEM((_CHUNK, D), jnp.float32) for _ in range(_NBUF)]
            + [pltpu.SemaphoreType.DMA for _ in range(2 * _NBUF)]
        ),
    )
    def k(table_hbm, idx_hbm, out3_hbm, idx_all, r0, r1, r2, r3,
          g0, g1, g2, g3, o0, o1, o2, o3):
        rows = (r0, r1, r2, r3)
        gsem = (g0, g1, g2, g3)
        osem = (o0, o1, o2, o3)
        wid = lax.axis_index("s") * _NC + lax.axis_index("c")
        base_w = wid * b_per_w
        pltpu.sync_copy(idx_hbm.at[pl.ds(base_w, b_per_w)], idx_all)

        def issue_gather(c, b):
            pltpu.async_copy(
                table_hbm.at[idx_all.at[pl.ds(c * _CHUNK, _CHUNK)]],
                rows[b], gsem[b],
            )

        for c in range(2):
            issue_gather(c, c)

        def quad_body(t, carry):
            for j in range(_NBUF):
                c = _NBUF * t + j
                b2 = (j + 2) % _NBUF
                pltpu.make_async_copy(
                    table_hbm.at[idx_all.at[pl.ds(0, _CHUNK)]],
                    rows[j], gsem[j],
                ).wait()
                pos = base_w + c * _CHUNK
                pltpu.async_copy(
                    rows[j],
                    out3_hbm.at[pos // Bt, pl.ds(pos % Bt, _CHUNK)],
                    osem[j],
                )

                @pl.when(c + 2 < n_chunks)
                def _():
                    @pl.when(c >= 2)
                    def _():
                        pltpu.make_async_copy(
                            rows[b2], out3_hbm.at[0, pl.ds(0, _CHUNK)], osem[b2]
                        ).wait()

                    issue_gather(c + 2, b2)

            return carry

        lax.fori_loop(0, n_chunks // _NBUF, quad_body, 0)
        for j in range(_NBUF):
            pltpu.make_async_copy(
                rows[j], out3_hbm.at[0, pl.ds(0, _CHUNK)], osem[j]
            ).wait()

    return k(table, idx)


def kernel(input, W):
    Bv, T = input.shape
    idx = input.T.reshape(-1).astype(jnp.int32)
    out3 = _gather_rows(W, idx, (T, Bv))
    return out3.transpose(1, 0, 2)

# --- scband reference (transcript-rebuilt; emitter-appended) ---
"""Pipeline reference for scband-net-w-10522669875271 (READ-ONLY COPY).

The authoritative reference and input builder live on the scoring server;
editing this copy changes nothing except your own understanding.
"""

import jax, jax.numpy as jnp
import numpy as np

NTOKEN = 1000000
NINP = 64

def setup_inputs(seed: int = 0) -> dict:
    key = jax.random.key(seed)
    k1, k2 = jax.random.split(key)
    inp = jax.random.randint(k1, (4096, 200), 0, NTOKEN, dtype=jnp.int64 if jax.config.jax_enable_x64 else jnp.int32)
    # init_weights: uniform_(-0.1, 0.1) over the whole table (overwrites padding row too,
    # exactly as in the original module)
    W = jax.random.uniform(k2, (NTOKEN, NINP), minval=-0.1, maxval=0.1, dtype=jnp.float32)
    return {"input": inp, "W": W}

def reference(input, W):
    # forward(input, format='index'): out = dropout(word_embed(input))
    # dropout is evaluated in eval mode (identity) for a deterministic reference.
    out = jnp.take(W, input, axis=0)
    return out

if __name__ == "__main__":
    import jax
    _d = setup_inputs()
    print(jax.jit(kernel)(*tuple(_d.values())))

</pallas_src>

<mosaic_0001>
#map = affine_map<(d0, d1) -> (0, 0)>
#map1 = affine_map<(d0, d1) -> (0)>
#map2 = affine_map<(d0, d1) -> (0, 0, 0)>
module attributes {stable_mosaic.version = 14 : i64} {
  func.func @k(%arg0: i32, %arg1: i32, %arg2: memref<1000000x64xf32, #tpu.memory_space<hbm>>, %arg3: memref<819200xi32, #tpu.memory_space<hbm>>, %arg4: memref<200x4096x64xf32, #tpu.memory_space<hbm>>, %arg5: memref<25600xi32, #tpu.memory_space<vmem>>, %arg6: memref<256x64xf32, #tpu.memory_space<vmem>>, %arg7: memref<256x64xf32, #tpu.memory_space<vmem>>, %arg8: memref<256x64xf32, #tpu.memory_space<vmem>>, %arg9: memref<256x64xf32, #tpu.memory_space<vmem>>, %arg10: memref<!tpu.dma_semaphore, #tpu.memory_space<semaphore_mem>>, %arg11: memref<!tpu.dma_semaphore, #tpu.memory_space<semaphore_mem>>, %arg12: memref<!tpu.dma_semaphore, #tpu.memory_space<semaphore_mem>>, %arg13: memref<!tpu.dma_semaphore, #tpu.memory_space<semaphore_mem>>, %arg14: memref<!tpu.dma_semaphore, #tpu.memory_space<semaphore_mem>>, %arg15: memref<!tpu.dma_semaphore, #tpu.memory_space<semaphore_mem>>, %arg16: memref<!tpu.dma_semaphore, #tpu.memory_space<semaphore_mem>>, %arg17: memref<!tpu.dma_semaphore, #tpu.memory_space<semaphore_mem>>) attributes {dimension_semantics = [#tpu.dimension_semantics<core_parallel>, #tpu.dimension_semantics<subcore_parallel>], iteration_bounds = array<i64: 2, 16>, scalar_prefetch = 0 : i64, scratch_operands = 13 : i64, tpu.core_type = #tpu.core_type<sc_vector_subcore>, window_params = [{transform_indices = #map}, {transform_indices = #map1}, {transform_indices = #map2}]} {
    %mul3A = arith.constant 2 : i32
    %mul3A_0 = arith.muli %arg1, %mul3A : i32
    %add3A = arith.addi %mul3A_0, %arg0 : i32
    %mul3A_1 = arith.constant 25600 : i32
    %mul3A_2 = arith.muli %add3A, %mul3A_1 : i32
    "tpu.region"() ({
      %run_scoped3A = tpu.sem_alloc : memref<!tpu.dma_semaphore, #tpu.memory_space<semaphore_mem>>
      %dma_start3A_52 = tpu.memref_slice %arg3[%mul3A_2] : memref<819200xi32, #tpu.memory_space<hbm>> -> memref<25600xi32, #tpu.memory_space<hbm>>
      %dma_start3A_53 = tpu.memref_slice %arg3[%mul3A_2] : memref<819200xi32, #tpu.memory_space<hbm>> -> memref<25600xi32, #tpu.memory_space<hbm>>
      tpu.enqueue_dma source(%dma_start3A_53 : memref<25600xi32, #tpu.memory_space<hbm>>) target(%arg5 : memref<25600xi32, #tpu.memory_space<vmem>>) target_semaphore(%run_scoped3A : memref<!tpu.dma_semaphore, #tpu.memory_space<semaphore_mem>>)
      %dma_wait3A_54 = tpu.memref_slice %arg3[%mul3A_2] : memref<819200xi32, #tpu.memory_space<hbm>> -> memref<25600xi32, #tpu.memory_space<hbm>>
      %dma_wait3A_55 = tpu.memref_slice %arg3[%mul3A_2] : memref<819200xi32, #tpu.memory_space<hbm>> -> memref<25600xi32, #tpu.memory_space<hbm>>
      tpu.wait_dma2 semaphore(%run_scoped3A : memref<!tpu.dma_semaphore, #tpu.memory_space<semaphore_mem>>) src(%dma_wait3A_55 : memref<25600xi32, #tpu.memory_space<hbm>>) dst(%arg5 : memref<25600xi32, #tpu.memory_space<vmem>>)
      tpu.yield
    }) : () -> ()
    %dma_start3A = arith.constant 0 : i32
    %dma_start3A_3 = tpu.memref_slice %arg5[%dma_start3A] : memref<25600xi32, #tpu.memory_space<vmem>> -> memref<256xi32, #tpu.memory_space<vmem>>
    %dma_start3A_4 = arith.constant 0 : i32
    %dma_start3A_5 = arith.constant 0 : i32
    %dma_start3A_6 = tpu.memref_slice %arg2[%dma_start3A_4, %dma_start3A_5] : memref<1000000x64xf32, #tpu.memory_space<hbm>> -> memref<1000000x64xf32, #tpu.memory_space<hbm>>
    tpu.enqueue_indirect_dma source(%dma_start3A_6 : memref<1000000x64xf32, #tpu.memory_space<hbm>>) target(%arg6 : memref<256x64xf32, #tpu.memory_space<vmem>>) offsets(%dma_start3A_3 : memref<256xi32, #tpu.memory_space<vmem>>) semaphore(%arg10 : memref<!tpu.dma_semaphore, #tpu.memory_space<semaphore_mem>>)
    %dma_start3A_7 = arith.constant 256 : i32
    %dma_start3A_8 = tpu.memref_slice %arg5[%dma_start3A_7] : memref<25600xi32, #tpu.memory_space<vmem>> -> memref<256xi32, #tpu.memory_space<vmem>>
    %dma_start3A_9 = arith.constant 0 : i32
    %dma_start3A_10 = arith.constant 0 : i32
    %dma_start3A_11 = tpu.memref_slice %arg2[%dma_start3A_9, %dma_start3A_10] : memref<1000000x64xf32, #tpu.memory_space<hbm>> -> memref<1000000x64xf32, #tpu.memory_space<hbm>>
    tpu.enqueue_indirect_dma source(%dma_start3A_11 : memref<1000000x64xf32, #tpu.memory_space<hbm>>) target(%arg7 : memref<256x64xf32, #tpu.memory_space<vmem>>) offsets(%dma_start3A_8 : memref<256xi32, #tpu.memory_space<vmem>>) semaphore(%arg11 : memref<!tpu.dma_semaphore, #tpu.memory_space<semaphore_mem>>)
    %scan3A = arith.constant 0 : i32
    %scan3A_12 = arith.constant 0 : i32
    %scan3A_13 = arith.constant 25 : i32
    %scan3A_14 = arith.addi %scan3A_12, %scan3A_13 : i32
    %scan3A_15 = arith.constant 1 : i32
    scf.for %scan3A_52 = %scan3A_12 to %scan3A_14 step %scan3A_15  : i32 {
      %mul3A_53 = arith.constant 4 : i32
      %mul3A_54 = arith.muli %mul3A_53, %scan3A_52 : i32
      %add3A_55 = arith.constant 0 : i32
      %add3A_56 = arith.addi %mul3A_54, %add3A_55 : i32
      %dma_wait3A_57 = arith.constant 0 : i32
      %dma_wait3A_58 = tpu.memref_slice %arg5[%dma_wait3A_57] : memref<25600xi32, #tpu.memory_space<vmem>> -> memref<256xi32, #tpu.memory_space<vmem>>
      %dma_wait3A_59 = arith.constant 0 : i32
      %dma_wait3A_60 = arith.constant 0 : i32
      %dma_wait3A_61 = tpu.memref_slice %arg2[%dma_wait3A_59, %dma_wait3A_60] : memref<1000000x64xf32, #tpu.memory_space<hbm>> -> memref<1000000x64xf32, #tpu.memory_space<hbm>>
      tpu.wait_indirect_dma semaphore(%arg10 : memref<!tpu.dma_semaphore, #tpu.memory_space<semaphore_mem>>) src(%dma_wait3A_61 : memref<1000000x64xf32, #tpu.memory_space<hbm>>) dst(%arg6 : memref<256x64xf32, #tpu.memory_space<vmem>>)
      %mul3A_62 = arith.constant 256 : i32
      %mul3A_63 = arith.muli %add3A_56, %mul3A_62 : i32
      %add3A_64 = arith.addi %mul3A_2, %mul3A_63 : i32
      %jit3A = arith.constant 4096 : i32
      %div3A = arith.divsi %add3A_64, %jit3A : i32
      %sign3A = arith.constant 0 : i32
      %sign3A_65 = arith.cmpi sgt, %add3A_64, %sign3A : i32
      %sign3A_66 = arith.extui %sign3A_65 : i1 to i32
      %sign3A_67 = arith.constant 0 : i32
      %sign3A_68 = arith.cmpi slt, %add3A_64, %sign3A_67 : i32
      %sign3A_69 = arith.extui %sign3A_68 : i1 to i32
      %sign3A_70 = arith.subi %sign3A_66, %sign3A_69 : i32
      %sign3A_71 = arith.constant 0 : i32
      %sign3A_72 = arith.cmpi sgt, %jit3A, %sign3A_71 : i32
      %sign3A_73 = arith.extui %sign3A_72 : i1 to i32
      %sign3A_74 = arith.constant 0 : i32
      %sign3A_75 = arith.cmpi slt, %jit3A, %sign3A_74 : i32
      %sign3A_76 = arith.extui %sign3A_75 : i1 to i32
      %sign3A_77 = arith.subi %sign3A_73, %sign3A_76 : i32
      %ne3A = arith.cmpi ne, %sign3A_70, %sign3A_77 : i32
      %rem3A = arith.remsi %add3A_64, %jit3A : i32
      %ne3A_78 = arith.constant 0 : i32
      %ne3A_79 = arith.cmpi ne, %rem3A, %ne3A_78 : i32
      %and3A = arith.andi %ne3A, %ne3A_79 : i1
      %sub3A = arith.constant 1 : i32
      %sub3A_80 = arith.subi %div3A, %sub3A : i32
      %select_n3A = arith.select %and3A, %sub3A_80, %div3A : i32
      %jit3A_81 = arith.constant 4096 : i32
      %eq3A = arith.constant 0 : i32
      %eq3A_82 = arith.cmpi eq, %jit3A_81, %eq3A : i32
      %jit3A_83 = arith.constant 1 : i32
      %select_n3A_84 = arith.select %eq3A_82, %jit3A_83, %jit3A_81 : i32
      %rem3A_85 = arith.remsi %add3A_64, %select_n3A_84 : i32
      %ne3A_86 = arith.constant 0 : i32
      %ne3A_87 = arith.cmpi ne, %rem3A_85, %ne3A_86 : i32
      %lt3A = arith.constant 0 : i32
      %lt3A_88 = arith.cmpi slt, %rem3A_85, %lt3A : i32
      %lt3A_89 = arith.constant 0 : i32
      %lt3A_90 = arith.cmpi slt, %select_n3A_84, %lt3A_89 : i32
      %ne3A_91 = arith.xori %lt3A_88, %lt3A_90 : i1
      %and3A_92 = arith.andi %ne3A_91, %ne3A_87 : i1
      %add3A_93 = arith.addi %rem3A_85, %select_n3A_84 : i32
      %select_n3A_94 = arith.select %and3A_92, %add3A_93, %rem3A_85 : i32
      %dma_start3A_95 = arith.constant 0 : i32
      %dma_start3A_96 = tpu.memref_slice %arg4[%select_n3A, %select_n3A_94, %dma_start3A_95] : memref<200x4096x64xf32, #tpu.memory_space<hbm>> -> memref<1x256x64xf32, #tpu.memory_space<hbm>>
      %dma_start3A_97 = tpu.memref_squeeze %dma_start3A_96 : memref<1x256x64xf32, #tpu.memory_space<hbm>> -> memref<256x64xf32, #tpu.memory_space<hbm>>
      %dma_start3A_98 = arith.constant 0 : i32
      %dma_start3A_99 = tpu.memref_slice %arg4[%select_n3A, %select_n3A_94, %dma_start3A_98] : memref<200x4096x64xf32, #tpu.memory_space<hbm>> -> memref<1x256x64xf32, #tpu.memory_space<hbm>>
      %dma_start3A_100 = tpu.memref_squeeze %dma_start3A_99 : memref<1x256x64xf32, #tpu.memory_space<hbm>> -> memref<256x64xf32, #tpu.memory_space<hbm>>
      tpu.enqueue_dma source(%arg6 : memref<256x64xf32, #tpu.memory_space<vmem>>) target(%dma_start3A_100 : memref<256x64xf32, #tpu.memory_space<hbm>>) target_semaphore(%arg14 : memref<!tpu.dma_semaphore, #tpu.memory_space<semaphore_mem>>)
      %add3A_101 = arith.constant 2 : i32
      %add3A_102 = arith.addi %add3A_56, %add3A_101 : i32
      %lt3A_103 = arith.constant 100 : i32
      %lt3A_104 = arith.cmpi slt, %add3A_102, %lt3A_103 : i32
      %convert_element_type3A = arith.extui %lt3A_104 : i1 to i32
      %cond3A = arith.constant 0 : i32
      %cond3A_105 = arith.cmpi ne, %convert_element_type3A, %cond3A : i32
      scf.if %cond3A_105 {
        %ge3A = arith.constant 2 : i32
        %ge3A_301 = arith.cmpi sge, %add3A_56, %ge3A : i32
        %convert_element_type3A_302 = arith.extui %ge3A_301 : i1 to i32
        %cond3A_303 = arith.constant 0 : i32
        %cond3A_304 = arith.cmpi ne, %convert_element_type3A_302, %cond3A_303 : i32
        scf.if %cond3A_304 {
          %dma_wait3A_313 = arith.constant 0 : i32
          %dma_wait3A_314 = arith.constant 0 : i32
          %dma_wait3A_315 = arith.constant 0 : i32
          %dma_wait3A_316 = tpu.memref_slice %arg4[%dma_wait3A_313, %dma_wait3A_314, %dma_wait3A_315] : memref<200x4096x64xf32, #tpu.memory_space<hbm>> -> memref<1x256x64xf32, #tpu.memory_space<hbm>>
          %dma_wait3A_317 = tpu.memref_squeeze %dma_wait3A_316 : memref<1x256x64xf32, #tpu.memory_space<hbm>> -> memref<256x64xf32, #tpu.memory_space<hbm>>
          %dma_wait3A_318 = arith.constant 0 : i32
          %dma_wait3A_319 = arith.constant 0 : i32
          %dma_wait3A_320 = tpu.memref_slice %arg4[%dma_wait3A_313, %dma_wait3A_318, %dma_wait3A_319] : memref<200x4096x64xf32, #tpu.memory_space<hbm>> -> memref<1x256x64xf32, #tpu.memory_space<hbm>>
          %dma_wait3A_321 = tpu.memref_squeeze %dma_wait3A_320 : memref<1x256x64xf32, #tpu.memory_space<hbm>> -> memref<256x64xf32, #tpu.memory_space<hbm>>
          tpu.wait_dma2 semaphore(%arg16 : memref<!tpu.dma_semaphore, #tpu.memory_space<semaphore_mem>>) src(%arg8 : memref<256x64xf32, #tpu.memory_space<vmem>>) dst(%dma_wait3A_321 : memref<256x64xf32, #tpu.memory_space<hbm>>)
        } else {
        }
        %add3A_305 = arith.constant 2 : i32
        %add3A_306 = arith.addi %add3A_56, %add3A_305 : i32
        %mul3A_307 = arith.constant 256 : i32
        %mul3A_308 = arith.muli %add3A_306, %mul3A_307 : i32
        %dma_start3A_309 = tpu.memref_slice %arg5[%mul3A_308] : memref<25600xi32, #tpu.memory_space<vmem>> -> memref<256xi32, #tpu.memory_space<vmem>>
        %dma_start3A_310 = arith.constant 0 : i32
        %dma_start3A_311 = arith.constant 0 : i32
        %dma_start3A_312 = tpu.memref_slice %arg2[%dma_start3A_310, %dma_start3A_311] : memref<1000000x64xf32, #tpu.memory_space<hbm>> -> memref<1000000x64xf32, #tpu.memory_space<hbm>>
        tpu.enqueue_indirect_dma source(%dma_start3A_312 : memref<1000000x64xf32, #tpu.memory_space<hbm>>) target(%arg8 : memref<256x64xf32, #tpu.memory_space<vmem>>) offsets(%dma_start3A_309 : memref<256xi32, #tpu.memory_space<vmem>>) semaphore(%arg12 : memref<!tpu.dma_semaphore, #tpu.memory_space<semaphore_mem>>)
      } else {
      }
      %mul3A_106 = arith.constant 4 : i32
      %mul3A_107 = arith.muli %mul3A_106, %scan3A_52 : i32
      %add3A_108 = arith.constant 1 : i32
      %add3A_109 = arith.addi %mul3A_107, %add3A_108 : i32
      %dma_wait3A_110 = arith.constant 0 : i32
      %dma_wait3A_111 = tpu.memref_slice %arg5[%dma_wait3A_110] : memref<25600xi32, #tpu.memory_space<vmem>> -> memref<256xi32, #tpu.memory_space<vmem>>
      %dma_wait3A_112 = arith.constant 0 : i32
      %dma_wait3A_113 = arith.constant 0 : i32
      %dma_wait3A_114 = tpu.memref_slice %arg2[%dma_wait3A_112, %dma_wait3A_113] : memref<1000000x64xf32, #tpu.memory_space<hbm>> -> memref<1000000x64xf32, #tpu.memory_space<hbm>>
      tpu.wait_indirect_dma semaphore(%arg11 : memref<!tpu.dma_semaphore, #tpu.memory_space<semaphore_mem>>) src(%dma_wait3A_114 : memref<1000000x64xf32, #tpu.memory_space<hbm>>) dst(%arg7 : memref<256x64xf32, #tpu.memory_space<vmem>>)
      %mul3A_115 = arith.constant 256 : i32
      %mul3A_116 = arith.muli %add3A_109, %mul3A_115 : i32
      %add3A_117 = arith.addi %mul3A_2, %mul3A_116 : i32
      %jit3A_118 = arith.constant 4096 : i32
      %div3A_119 = arith.divsi %add3A_117, %jit3A_118 : i32
      %sign3A_120 = arith.constant 0 : i32
      %sign3A_121 = arith.cmpi sgt, %add3A_117, %sign3A_120 : i32
      %sign3A_122 = arith.extui %sign3A_121 : i1 to i32
      %sign3A_123 = arith.constant 0 : i32
      %sign3A_124 = arith.cmpi slt, %add3A_117, %sign3A_123 : i32
      %sign3A_125 = arith.extui %sign3A_124 : i1 to i32
      %sign3A_126 = arith.subi %sign3A_122, %sign3A_125 : i32
      %sign3A_127 = arith.constant 0 : i32
      %sign3A_128 = arith.cmpi sgt, %jit3A_118, %sign3A_127 : i32
      %sign3A_129 = arith.extui %sign3A_128 : i1 to i32
      %sign3A_130 = arith.constant 0 : i32
      %sign3A_131 = arith.cmpi slt, %jit3A_118, %sign3A_130 : i32
      %sign3A_132 = arith.extui %sign3A_131 : i1 to i32
      %sign3A_133 = arith.subi %sign3A_129, %sign3A_132 : i32
      %ne3A_134 = arith.cmpi ne, %sign3A_126, %sign3A_133 : i32
      %rem3A_135 = arith.remsi %add3A_117, %jit3A_118 : i32
      %ne3A_136 = arith.constant 0 : i32
      %ne3A_137 = arith.cmpi ne, %rem3A_135, %ne3A_136 : i32
      %and3A_138 = arith.andi %ne3A_134, %ne3A_137 : i1
      %sub3A_139 = arith.constant 1 : i32
      %sub3A_140 = arith.subi %div3A_119, %sub3A_139 : i32
      %select_n3A_141 = arith.select %and3A_138, %sub3A_140, %div3A_119 : i32
      %jit3A_142 = arith.constant 4096 : i32
      %eq3A_143 = arith.constant 0 : i32
      %eq3A_144 = arith.cmpi eq, %jit3A_142, %eq3A_143 : i32
      %jit3A_145 = arith.constant 1 : i32
      %select_n3A_146 = arith.select %eq3A_144, %jit3A_145, %jit3A_142 : i32
      %rem3A_147 = arith.remsi %add3A_117, %select_n3A_146 : i32
      %ne3A_148 = arith.constant 0 : i32
      %ne3A_149 = arith.cmpi ne, %rem3A_147, %ne3A_148 : i32
      %lt3A_150 = arith.constant 0 : i32
      %lt3A_151 = arith.cmpi slt, %rem3A_147, %lt3A_150 : i32
      %lt3A_152 = arith.constant 0 : i32
      %lt3A_153 = arith.cmpi slt, %select_n3A_146, %lt3A_152 : i32
      %ne3A_154 = arith.xori %lt3A_151, %lt3A_153 : i1
      %and3A_155 = arith.andi %ne3A_154, %ne3A_149 : i1
      %add3A_156 = arith.addi %rem3A_147, %select_n3A_146 : i32
      %select_n3A_157 = arith.select %and3A_155, %add3A_156, %rem3A_147 : i32
      %dma_start3A_158 = arith.constant 0 : i32
      %dma_start3A_159 = tpu.memref_slice %arg4[%select_n3A_141, %select_n3A_157, %dma_start3A_158] : memref<200x4096x64xf32, #tpu.memory_space<hbm>> -> memref<1x256x64xf32, #tpu.memory_space<hbm>>
      %dma_start3A_160 = tpu.memref_squeeze %dma_start3A_159 : memref<1x256x64xf32, #tpu.memory_space<hbm>> -> memref<256x64xf32, #tpu.memory_space<hbm>>
      %dma_start3A_161 = arith.constant 0 : i32
      %dma_start3A_162 = tpu.memref_slice %arg4[%select_n3A_141, %select_n3A_157, %dma_start3A_161] : memref<200x4096x64xf32, #tpu.memory_space<hbm>> -> memref<1x256x64xf32, #tpu.memory_space<hbm>>
      %dma_start3A_163 = tpu.memref_squeeze %dma_start3A_162 : memref<1x256x64xf32, #tpu.memory_space<hbm>> -> memref<256x64xf32, #tpu.memory_space<hbm>>
      tpu.enqueue_dma source(%arg7 : memref<256x64xf32, #tpu.memory_space<vmem>>) target(%dma_start3A_163 : memref<256x64xf32, #tpu.memory_space<hbm>>) target_semaphore(%arg15 : memref<!tpu.dma_semaphore, #tpu.memory_space<semaphore_mem>>)
      %add3A_164 = arith.constant 2 : i32
      %add3A_165 = arith.addi %add3A_109, %add3A_164 : i32
      %lt3A_166 = arith.constant 100 : i32
      %lt3A_167 = arith.cmpi slt, %add3A_165, %lt3A_166 : i32
      %convert_element_type3A_168 = arith.extui %lt3A_167 : i1 to i32
      %cond3A_169 = arith.constant 0 : i32
      %cond3A_170 = arith.cmpi ne, %convert_element_type3A_168, %cond3A_169 : i32
      scf.if %cond3A_170 {
        %ge3A = arith.constant 2 : i32
        %ge3A_301 = arith.cmpi sge, %add3A_109, %ge3A : i32
        %convert_element_type3A_302 = arith.extui %ge3A_301 : i1 to i32
        %cond3A_303 = arith.constant 0 : i32
        %cond3A_304 = arith.cmpi ne, %convert_element_type3A_302, %cond3A_303 : i32
        scf.if %cond3A_304 {
          %dma_wait3A_313 = arith.constant 0 : i32
          %dma_wait3A_314 = arith.constant 0 : i32
          %dma_wait3A_315 = arith.constant 0 : i32
          %dma_wait3A_316 = tpu.memref_slice %arg4[%dma_wait3A_313, %dma_wait3A_314, %dma_wait3A_315] : memref<200x4096x64xf32, #tpu.memory_space<hbm>> -> memref<1x256x64xf32, #tpu.memory_space<hbm>>
          %dma_wait3A_317 = tpu.memref_squeeze %dma_wait3A_316 : memref<1x256x64xf32, #tpu.memory_space<hbm>> -> memref<256x64xf32, #tpu.memory_space<hbm>>
          %dma_wait3A_318 = arith.constant 0 : i32
          %dma_wait3A_319 = arith.constant 0 : i32
          %dma_wait3A_320 = tpu.memref_slice %arg4[%dma_wait3A_313, %dma_wait3A_318, %dma_wait3A_319] : memref<200x4096x64xf32, #tpu.memory_space<hbm>> -> memref<1x256x64xf32, #tpu.memory_space<hbm>>
          %dma_wait3A_321 = tpu.memref_squeeze %dma_wait3A_320 : memref<1x256x64xf32, #tpu.memory_space<hbm>> -> memref<256x64xf32, #tpu.memory_space<hbm>>
          tpu.wait_dma2 semaphore(%arg17 : memref<!tpu.dma_semaphore, #tpu.memory_space<semaphore_mem>>) src(%arg9 : memref<256x64xf32, #tpu.memory_space<vmem>>) dst(%dma_wait3A_321 : memref<256x64xf32, #tpu.memory_space<hbm>>)
        } else {
        }
        %add3A_305 = arith.constant 2 : i32
        %add3A_306 = arith.addi %add3A_109, %add3A_305 : i32
        %mul3A_307 = arith.constant 256 : i32
        %mul3A_308 = arith.muli %add3A_306, %mul3A_307 : i32
        %dma_start3A_309 = tpu.memref_slice %arg5[%mul3A_308] : memref<25600xi32, #tpu.memory_space<vmem>> -> memref<256xi32, #tpu.memory_space<vmem>>
        %dma_start3A_310 = arith.constant 0 : i32
        %dma_start3A_311 = arith.constant 0 : i32
        %dma_start3A_312 = tpu.memref_slice %arg2[%dma_start3A_310, %dma_start3A_311] : memref<1000000x64xf32, #tpu.memory_space<hbm>> -> memref<1000000x64xf32, #tpu.memory_space<hbm>>
        tpu.enqueue_indirect_dma source(%dma_start3A_312 : memref<1000000x64xf32, #tpu.memory_space<hbm>>) target(%arg9 : memref<256x64xf32, #tpu.memory_space<vmem>>) offsets(%dma_start3A_309 : memref<256xi32, #tpu.memory_space<vmem>>) semaphore(%arg13 : memref<!tpu.dma_semaphore, #tpu.memory_space<semaphore_mem>>)
      } else {
      }
      %mul3A_171 = arith.constant 4 : i32
      %mul3A_172 = arith.muli %mul3A_171, %scan3A_52 : i32
      %add3A_173 = arith.constant 2 : i32
      %add3A_174 = arith.addi %mul3A_172, %add3A_173 : i32
      %dma_wait3A_175 = arith.constant 0 : i32
      %dma_wait3A_176 = tpu.memref_slice %arg5[%dma_wait3A_175] : memref<25600xi32, #tpu.memory_space<vmem>> -> memref<256xi32, #tpu.memory_space<vmem>>
      %dma_wait3A_177 = arith.constant 0 : i32
      %dma_wait3A_178 = arith.constant 0 : i32
      %dma_wait3A_179 = tpu.memref_slice %arg2[%dma_wait3A_177, %dma_wait3A_178] : memref<1000000x64xf32, #tpu.memory_space<hbm>> -> memref<1000000x64xf32, #tpu.memory_space<hbm>>
      tpu.wait_indirect_dma semaphore(%arg12 : memref<!tpu.dma_semaphore, #tpu.memory_space<semaphore_mem>>) src(%dma_wait3A_179 : memref<1000000x64xf32, #tpu.memory_space<hbm>>) dst(%arg8 : memref<256x64xf32, #tpu.memory_space<vmem>>)
      %mul3A_180 = arith.constant 256 : i32
      %mul3A_181 = arith.muli %add3A_174, %mul3A_180 : i32
      %add3A_182 = arith.addi %mul3A_2, %mul3A_181 : i32
      %jit3A_183 = arith.constant 4096 : i32
      %div3A_184 = arith.divsi %add3A_182, %jit3A_183 : i32
      %sign3A_185 = arith.constant 0 : i32
      %sign3A_186 = arith.cmpi sgt, %add3A_182, %sign3A_185 : i32
      %sign3A_187 = arith.extui %sign3A_186 : i1 to i32
      %sign3A_188 = arith.constant 0 : i32
      %sign3A_189 = arith.cmpi slt, %add3A_182, %sign3A_188 : i32
      %sign3A_190 = arith.extui %sign3A_189 : i1 to i32
      %sign3A_191 = arith.subi %sign3A_187, %sign3A_190 : i32
      %sign3A_192 = arith.constant 0 : i32
      %sign3A_193 = arith.cmpi sgt, %jit3A_183, %sign3A_192 : i32
      %sign3A_194 = arith.extui %sign3A_193 : i1 to i32
      %sign3A_195 = arith.constant 0 : i32
      %sign3A_196 = arith.cmpi slt, %jit3A_183, %sign3A_195 : i32
      %sign3A_197 = arith.extui %sign3A_196 : i1 to i32
      %sign3A_198 = arith.subi %sign3A_194, %sign3A_197 : i32
      %ne3A_199 = arith.cmpi ne, %sign3A_191, %sign3A_198 : i32
      %rem3A_200 = arith.remsi %add3A_182, %jit3A_183 : i32
      %ne3A_201 = arith.constant 0 : i32
      %ne3A_202 = arith.cmpi ne, %rem3A_200, %ne3A_201 : i32
      %and3A_203 = arith.andi %ne3A_199, %ne3A_202 : i1
      %sub3A_204 = arith.constant 1 : i32
      %sub3A_205 = arith.subi %div3A_184, %sub3A_204 : i32
      %select_n3A_206 = arith.select %and3A_203, %sub3A_205, %div3A_184 : i32
      %jit3A_207 = arith.constant 4096 : i32
      %eq3A_208 = arith.constant 0 : i32
      %eq3A_209 = arith.cmpi eq, %jit3A_207, %eq3A_208 : i32
      %jit3A_210 = arith.constant 1 : i32
      %select_n3A_211 = arith.select %eq3A_209, %jit3A_210, %jit3A_207 : i32
      %rem3A_212 = arith.remsi %add3A_182, %select_n3A_211 : i32
      %ne3A_213 = arith.constant 0 : i32
      %ne3A_214 = arith.cmpi ne, %rem3A_212, %ne3A_213 : i32
      %lt3A_215 = arith.constant 0 : i32
      %lt3A_216 = arith.cmpi slt, %rem3A_212, %lt3A_215 : i32
      %lt3A_217 = arith.constant 0 : i32
      %lt3A_218 = arith.cmpi slt, %select_n3A_211, %lt3A_217 : i32
      %ne3A_219 = arith.xori %lt3A_216, %lt3A_218 : i1
      %and3A_220 = arith.andi %ne3A_219, %ne3A_214 : i1
      %add3A_221 = arith.addi %rem3A_212, %select_n3A_211 : i32
      %select_n3A_222 = arith.select %and3A_220, %add3A_221, %rem3A_212 : i32
      %dma_start3A_223 = arith.constant 0 : i32
      %dma_start3A_224 = tpu.memref_slice %arg4[%select_n3A_206, %select_n3A_222, %dma_start3A_223] : memref<200x4096x64xf32, #tpu.memory_space<hbm>> -> memref<1x256x64xf32, #tpu.memory_space<hbm>>
      %dma_start3A_225 = tpu.memref_squeeze %dma_start3A_224 : memref<1x256x64xf32, #tpu.memory_space<hbm>> -> memref<256x64xf32, #tpu.memory_space<hbm>>
      %dma_start3A_226 = arith.constant 0 : i32
      %dma_start3A_227 = tpu.memref_slice %arg4[%select_n3A_206, %select_n3A_222, %dma_start3A_226] : memref<200x4096x64xf32, #tpu.memory_space<hbm>> -> memref<1x256x64xf32, #tpu.memory_space<hbm>>
      %dma_start3A_228 = tpu.memref_squeeze %dma_start3A_227 : memref<1x256x64xf32, #tpu.memory_space<hbm>> -> memref<256x64xf32, #tpu.memory_space<hbm>>
      tpu.enqueue_dma source(%arg8 : memref<256x64xf32, #tpu.memory_space<vmem>>) target(%dma_start3A_228 : memref<256x64xf32, #tpu.memory_space<hbm>>) target_semaphore(%arg16 : memref<!tpu.dma_semaphore, #tpu.memory_space<semaphore_mem>>)
      %add3A_229 = arith.constant 2 : i32
      %add3A_230 = arith.addi %add3A_174, %add3A_229 : i32
      %lt3A_231 = arith.constant 100 : i32
      %lt3A_232 = arith.cmpi slt, %add3A_230, %lt3A_231 : i32
      %convert_element_type3A_233 = arith.extui %lt3A_232 : i1 to i32
      %cond3A_234 = arith.constant 0 : i32
      %cond3A_235 = arith.cmpi ne, %convert_element_type3A_233, %cond3A_234 : i32
      scf.if %cond3A_235 {
        %ge3A = arith.constant 2 : i32
        %ge3A_301 = arith.cmpi sge, %add3A_174, %ge3A : i32
        %convert_element_type3A_302 = arith.extui %ge3A_301 : i1 to i32
        %cond3A_303 = arith.constant 0 : i32
        %cond3A_304 = arith.cmpi ne, %convert_element_type3A_302, %cond3A_303 : i32
        scf.if %cond3A_304 {
          %dma_wait3A_313 = arith.constant 0 : i32
          %dma_wait3A_314 = arith.constant 0 : i32
          %dma_wait3A_315 = arith.constant 0 : i32
          %dma_wait3A_316 = tpu.memref_slice %arg4[%dma_wait3A_313, %dma_wait3A_314, %dma_wait3A_315] : memref<200x4096x64xf32, #tpu.memory_space<hbm>> -> memref<1x256x64xf32, #tpu.memory_space<hbm>>
          %dma_wait3A_317 = tpu.memref_squeeze %dma_wait3A_316 : memref<1x256x64xf32, #tpu.memory_space<hbm>> -> memref<256x64xf32, #tpu.memory_space<hbm>>
          %dma_wait3A_318 = arith.constant 0 : i32
          %dma_wait3A_319 = arith.constant 0 : i32
          %dma_wait3A_320 = tpu.memref_slice %arg4[%dma_wait3A_313, %dma_wait3A_318, %dma_wait3A_319] : memref<200x4096x64xf32, #tpu.memory_space<hbm>> -> memref<1x256x64xf32, #tpu.memory_space<hbm>>
          %dma_wait3A_321 = tpu.memref_squeeze %dma_wait3A_320 : memref<1x256x64xf32, #tpu.memory_space<hbm>> -> memref<256x64xf32, #tpu.memory_space<hbm>>
          tpu.wait_dma2 semaphore(%arg14 : memref<!tpu.dma_semaphore, #tpu.memory_space<semaphore_mem>>) src(%arg6 : memref<256x64xf32, #tpu.memory_space<vmem>>) dst(%dma_wait3A_321 : memref<256x64xf32, #tpu.memory_space<hbm>>)
        } else {
        }
        %add3A_305 = arith.constant 2 : i32
        %add3A_306 = arith.addi %add3A_174, %add3A_305 : i32
        %mul3A_307 = arith.constant 256 : i32
        %mul3A_308 = arith.muli %add3A_306, %mul3A_307 : i32
        %dma_start3A_309 = tpu.memref_slice %arg5[%mul3A_308] : memref<25600xi32, #tpu.memory_space<vmem>> -> memref<256xi32, #tpu.memory_space<vmem>>
        %dma_start3A_310 = arith.constant 0 : i32
        %dma_start3A_311 = arith.constant 0 : i32
        %dma_start3A_312 = tpu.memref_slice %arg2[%dma_start3A_310, %dma_start3A_311] : memref<1000000x64xf32, #tpu.memory_space<hbm>> -> memref<1000000x64xf32, #tpu.memory_space<hbm>>
        tpu.enqueue_indirect_dma source(%dma_start3A_312 : memref<1000000x64xf32, #tpu.memory_space<hbm>>) target(%arg6 : memref<256x64xf32, #tpu.memory_space<vmem>>) offsets(%dma_start3A_309 : memref<256xi32, #tpu.memory_space<vmem>>) semaphore(%arg10 : memref<!tpu.dma_semaphore, #tpu.memory_space<semaphore_mem>>)
      } else {
      }
      %mul3A_236 = arith.constant 4 : i32
      %mul3A_237 = arith.muli %mul3A_236, %scan3A_52 : i32
      %add3A_238 = arith.constant 3 : i32
      %add3A_239 = arith.addi %mul3A_237, %add3A_238 : i32
      %dma_wait3A_240 = arith.constant 0 : i32
      %dma_wait3A_241 = tpu.memref_slice %arg5[%dma_wait3A_240] : memref<25600xi32, #tpu.memory_space<vmem>> -> memref<256xi32, #tpu.memory_space<vmem>>
      %dma_wait3A_242 = arith.constant 0 : i32
      %dma_wait3A_243 = arith.constant 0 : i32
      %dma_wait3A_244 = tpu.memref_slice %arg2[%dma_wait3A_242, %dma_wait3A_243] : memref<1000000x64xf32, #tpu.memory_space<hbm>> -> memref<1000000x64xf32, #tpu.memory_space<hbm>>
      tpu.wait_indirect_dma semaphore(%arg13 : memref<!tpu.dma_semaphore, #tpu.memory_space<semaphore_mem>>) src(%dma_wait3A_244 : memref<1000000x64xf32, #tpu.memory_space<hbm>>) dst(%arg9 : memref<256x64xf32, #tpu.memory_space<vmem>>)
      %mul3A_245 = arith.constant 256 : i32
      %mul3A_246 = arith.muli %add3A_239, %mul3A_245 : i32
      %add3A_247 = arith.addi %mul3A_2, %mul3A_246 : i32
      %jit3A_248 = arith.constant 4096 : i32
      %div3A_249 = arith.divsi %add3A_247, %jit3A_248 : i32
      %sign3A_250 = arith.constant 0 : i32
      %sign3A_251 = arith.cmpi sgt, %add3A_247, %sign3A_250 : i32
      %sign3A_252 = arith.extui %sign3A_251 : i1 to i32
      %sign3A_253 = arith.constant 0 : i32
      %sign3A_254 = arith.cmpi slt, %add3A_247, %sign3A_253 : i32
      %sign3A_255 = arith.extui %sign3A_254 : i1 to i32
      %sign3A_256 = arith.subi %sign3A_252, %sign3A_255 : i32
      %sign3A_257 = arith.constant 0 : i32
      %sign3A_258 = arith.cmpi sgt, %jit3A_248, %sign3A_257 : i32
      %sign3A_259 = arith.extui %sign3A_258 : i1 to i32
      %sign3A_260 = arith.constant 0 : i32
      %sign3A_261 = arith.cmpi slt, %jit3A_248, %sign3A_260 : i32
      %sign3A_262 = arith.extui %sign3A_261 : i1 to i32
      %sign3A_263 = arith.subi %sign3A_259, %sign3A_262 : i32
      %ne3A_264 = arith.cmpi ne, %sign3A_256, %sign3A_263 : i32
      %rem3A_265 = arith.remsi %add3A_247, %jit3A_248 : i32
      %ne3A_266 = arith.constant 0 : i32
      %ne3A_267 = arith.cmpi ne, %rem3A_265, %ne3A_266 : i32
      %and3A_268 = arith.andi %ne3A_264, %ne3A_267 : i1
      %sub3A_269 = arith.constant 1 : i32
      %sub3A_270 = arith.subi %div3A_249, %sub3A_269 : i32
      %select_n3A_271 = arith.select %and3A_268, %sub3A_270, %div3A_249 : i32
      %jit3A_272 = arith.constant 4096 : i32
      %eq3A_273 = arith.constant 0 : i32
      %eq3A_274 = arith.cmpi eq, %jit3A_272, %eq3A_273 : i32
      %jit3A_275 = arith.constant 1 : i32
      %select_n3A_276 = arith.select %eq3A_274, %jit3A_275, %jit3A_272 : i32
      %rem3A_277 = arith.remsi %add3A_247, %select_n3A_276 : i32
      %ne3A_278 = arith.constant 0 : i32
      %ne3A_279 = arith.cmpi ne, %rem3A_277, %ne3A_278 : i32
      %lt3A_280 = arith.constant 0 : i32
      %lt3A_281 = arith.cmpi slt, %rem3A_277, %lt3A_280 : i32
      %lt3A_282 = arith.constant 0 : i32
      %lt3A_283 = arith.cmpi slt, %select_n3A_276, %lt3A_282 : i32
      %ne3A_284 = arith.xori %lt3A_281, %lt3A_283 : i1
      %and3A_285 = arith.andi %ne3A_284, %ne3A_279 : i1
      %add3A_286 = arith.addi %rem3A_277, %select_n3A_276 : i32
      %select_n3A_287 = arith.select %and3A_285, %add3A_286, %rem3A_277 : i32
      %dma_start3A_288 = arith.constant 0 : i32
      %dma_start3A_289 = tpu.memref_slice %arg4[%select_n3A_271, %select_n3A_287, %dma_start3A_288] : memref<200x4096x64xf32, #tpu.memory_space<hbm>> -> memref<1x256x64xf32, #tpu.memory_space<hbm>>
      %dma_start3A_290 = tpu.memref_squeeze %dma_start3A_289 : memref<1x256x64xf32, #tpu.memory_space<hbm>> -> memref<256x64xf32, #tpu.memory_space<hbm>>
      %dma_start3A_291 = arith.constant 0 : i32
      %dma_start3A_292 = tpu.memref_slice %arg4[%select_n3A_271, %select_n3A_287, %dma_start3A_291] : memref<200x4096x64xf32, #tpu.memory_space<hbm>> -> memref<1x256x64xf32, #tpu.memory_space<hbm>>
      %dma_start3A_293 = tpu.memref_squeeze %dma_start3A_292 : memref<1x256x64xf32, #tpu.memory_space<hbm>> -> memref<256x64xf32, #tpu.memory_space<hbm>>
      tpu.enqueue_dma source(%arg9 : memref<256x64xf32, #tpu.memory_space<vmem>>) target(%dma_start3A_293 : memref<256x64xf32, #tpu.memory_space<hbm>>) target_semaphore(%arg17 : memref<!tpu.dma_semaphore, #tpu.memory_space<semaphore_mem>>)
      %add3A_294 = arith.constant 2 : i32
      %add3A_295 = arith.addi %add3A_239, %add3A_294 : i32
      %lt3A_296 = arith.constant 100 : i32
      %lt3A_297 = arith.cmpi slt, %add3A_295, %lt3A_296 : i32
      %convert_element_type3A_298 = arith.extui %lt3A_297 : i1 to i32
      %cond3A_299 = arith.constant 0 : i32
      %cond3A_300 = arith.cmpi ne, %convert_element_type3A_298, %cond3A_299 : i32
      scf.if %cond3A_300 {
        %ge3A = arith.constant 2 : i32
        %ge3A_301 = arith.cmpi sge, %add3A_239, %ge3A : i32
        %convert_element_type3A_302 = arith.extui %ge3A_301 : i1 to i32
        %cond3A_303 = arith.constant 0 : i32
        %cond3A_304 = arith.cmpi ne, %convert_element_type3A_302, %cond3A_303 : i32
        scf.if %cond3A_304 {
          %dma_wait3A_313 = arith.constant 0 : i32
          %dma_wait3A_314 = arith.constant 0 : i32
          %dma_wait3A_315 = arith.constant 0 : i32
          %dma_wait3A_316 = tpu.memref_slice %arg4[%dma_wait3A_313, %dma_wait3A_314, %dma_wait3A_315] : memref<200x4096x64xf32, #tpu.memory_space<hbm>> -> memref<1x256x64xf32, #tpu.memory_space<hbm>>
          %dma_wait3A_317 = tpu.memref_squeeze %dma_wait3A_316 : memref<1x256x64xf32, #tpu.memory_space<hbm>> -> memref<256x64xf32, #tpu.memory_space<hbm>>
          %dma_wait3A_318 = arith.constant 0 : i32
          %dma_wait3A_319 = arith.constant 0 : i32
          %dma_wait3A_320 = tpu.memref_slice %arg4[%dma_wait3A_313, %dma_wait3A_318, %dma_wait3A_319] : memref<200x4096x64xf32, #tpu.memory_space<hbm>> -> memref<1x256x64xf32, #tpu.memory_space<hbm>>
          %dma_wait3A_321 = tpu.memref_squeeze %dma_wait3A_320 : memref<1x256x64xf32, #tpu.memory_space<hbm>> -> memref<256x64xf32, #tpu.memory_space<hbm>>
          tpu.wait_dma2 semaphore(%arg15 : memref<!tpu.dma_semaphore, #tpu.memory_space<semaphore_mem>>) src(%arg7 : memref<256x64xf32, #tpu.memory_space<vmem>>) dst(%dma_wait3A_321 : memref<256x64xf32, #tpu.memory_space<hbm>>)
        } else {
        }
        %add3A_305 = arith.constant 2 : i32
        %add3A_306 = arith.addi %add3A_239, %add3A_305 : i32
        %mul3A_307 = arith.constant 256 : i32
        %mul3A_308 = arith.muli %add3A_306, %mul3A_307 : i32
        %dma_start3A_309 = tpu.memref_slice %arg5[%mul3A_308] : memref<25600xi32, #tpu.memory_space<vmem>> -> memref<256xi32, #tpu.memory_space<vmem>>
        %dma_start3A_310 = arith.constant 0 : i32
        %dma_start3A_311 = arith.constant 0 : i32
        %dma_start3A_312 = tpu.memref_slice %arg2[%dma_start3A_310, %dma_start3A_311] : memref<1000000x64xf32, #tpu.memory_space<hbm>> -> memref<1000000x64xf32, #tpu.memory_space<hbm>>
        tpu.enqueue_indirect_dma source(%dma_start3A_312 : memref<1000000x64xf32, #tpu.memory_space<hbm>>) target(%arg7 : memref<256x64xf32, #tpu.memory_space<vmem>>) offsets(%dma_start3A_309 : memref<256xi32, #tpu.memory_space<vmem>>) semaphore(%arg11 : memref<!tpu.dma_semaphore, #tpu.memory_space<semaphore_mem>>)
      } else {
      }
    }
    %scan3A_16 = arith.constant 25 : i32
    %dma_wait3A = arith.constant 0 : i32
    %dma_wait3A_17 = arith.constant 0 : i32
    %dma_wait3A_18 = arith.constant 0 : i32
    %dma_wait3A_19 = tpu.memref_slice %arg4[%dma_wait3A, %dma_wait3A_17, %dma_wait3A_18] : memref<200x4096x64xf32, #tpu.memory_space<hbm>> -> memref<1x256x64xf32, #tpu.memory_space<hbm>>
    %dma_wait3A_20 = tpu.memref_squeeze %dma_wait3A_19 : memref<1x256x64xf32, #tpu.memory_space<hbm>> -> memref<256x64xf32, #tpu.memory_space<hbm>>
    %dma_wait3A_21 = arith.constant 0 : i32
    %dma_wait3A_22 = arith.constant 0 : i32
    %dma_wait3A_23 = tpu.memref_slice %arg4[%dma_wait3A, %dma_wait3A_21, %dma_wait3A_22] : memref<200x4096x64xf32, #tpu.memory_space<hbm>> -> memref<1x256x64xf32, #tpu.memory_space<hbm>>
    %dma_wait3A_24 = tpu.memref_squeeze %dma_wait3A_23 : memref<1x256x64xf32, #tpu.memory_space<hbm>> -> memref<256x64xf32, #tpu.memory_space<hbm>>
    tpu.wait_dma2 semaphore(%arg14 : memref<!tpu.dma_semaphore, #tpu.memory_space<semaphore_mem>>) src(%arg6 : memref<256x64xf32, #tpu.memory_space<vmem>>) dst(%dma_wait3A_24 : memref<256x64xf32, #tpu.memory_space<hbm>>)
    %dma_wait3A_25 = arith.constant 0 : i32
    %dma_wait3A_26 = arith.constant 0 : i32
    %dma_wait3A_27 = arith.constant 0 : i32
    %dma_wait3A_28 = tpu.memref_slice %arg4[%dma_wait3A_25, %dma_wait3A_26, %dma_wait3A_27] : memref<200x4096x64xf32, #tpu.memory_space<hbm>> -> memref<1x256x64xf32, #tpu.memory_space<hbm>>
    %dma_wait3A_29 = tpu.memref_squeeze %dma_wait3A_28 : memref<1x256x64xf32, #tpu.memory_space<hbm>> -> memref<256x64xf32, #tpu.memory_space<hbm>>
    %dma_wait3A_30 = arith.constant 0 : i32
    %dma_wait3A_31 = arith.constant 0 : i32
    %dma_wait3A_32 = tpu.memref_slice %arg4[%dma_wait3A_25, %dma_wait3A_30, %dma_wait3A_31] : memref<200x4096x64xf32, #tpu.memory_space<hbm>> -> memref<1x256x64xf32, #tpu.memory_space<hbm>>
    %dma_wait3A_33 = tpu.memref_squeeze %dma_wait3A_32 : memref<1x256x64xf32, #tpu.memory_space<hbm>> -> memref<256x64xf32, #tpu.memory_space<hbm>>
    tpu.wait_dma2 semaphore(%arg15 : memref<!tpu.dma_semaphore, #tpu.memory_space<semaphore_mem>>) src(%arg7 : memref<256x64xf32, #tpu.memory_space<vmem>>) dst(%dma_wait3A_33 : memref<256x64xf32, #tpu.memory_space<hbm>>)
    %dma_wait3A_34 = arith.constant 0 : i32
    %dma_wait3A_35 = arith.constant 0 : i32
    %dma_wait3A_36 = arith.constant 0 : i32
    %dma_wait3A_37 = tpu.memref_slice %arg4[%dma_wait3A_34, %dma_wait3A_35, %dma_wait3A_36] : memref<200x4096x64xf32, #tpu.memory_space<hbm>> -> memref<1x256x64xf32, #tpu.memory_space<hbm>>
    %dma_wait3A_38 = tpu.memref_squeeze %dma_wait3A_37 : memref<1x256x64xf32, #tpu.memory_space<hbm>> -> memref<256x64xf32, #tpu.memory_space<hbm>>
    %dma_wait3A_39 = arith.constant 0 : i32
    %dma_wait3A_40 = arith.constant 0 : i32
    %dma_wait3A_41 = tpu.memref_slice %arg4[%dma_wait3A_34, %dma_wait3A_39, %dma_wait3A_40] : memref<200x4096x64xf32, #tpu.memory_space<hbm>> -> memref<1x256x64xf32, #tpu.memory_space<hbm>>
    %dma_wait3A_42 = tpu.memref_squeeze %dma_wait3A_41 : memref<1x256x64xf32, #tpu.memory_space<hbm>> -> memref<256x64xf32, #tpu.memory_space<hbm>>
    tpu.wait_dma2 semaphore(%arg16 : memref<!tpu.dma_semaphore, #tpu.memory_space<semaphore_mem>>) src(%arg8 : memref<256x64xf32, #tpu.memory_space<vmem>>) dst(%dma_wait3A_42 : memref<256x64xf32, #tpu.memory_space<hbm>>)
    %dma_wait3A_43 = arith.constant 0 : i32
    %dma_wait3A_44 = arith.constant 0 : i32
    %dma_wait3A_45 = arith.constant 0 : i32
    %dma_wait3A_46 = tpu.memref_slice %arg4[%dma_wait3A_43, %dma_wait3A_44, %dma_wait3A_45] : memref<200x4096x64xf32, #tpu.memory_space<hbm>> -> memref<1x256x64xf32, #tpu.memory_space<hbm>>
    %dma_wait3A_47 = tpu.memref_squeeze %dma_wait3A_46 : memref<1x256x64xf32, #tpu.memory_space<hbm>> -> memref<256x64xf32, #tpu.memory_space<hbm>>
    %dma_wait3A_48 = arith.constant 0 : i32
    %dma_wait3A_49 = arith.constant 0 : i32
    %dma_wait3A_50 = tpu.memref_slice %arg4[%dma_wait3A_43, %dma_wait3A_48, %dma_wait3A_49] : memref<200x4096x64xf32, #tpu.memory_space<hbm>> -> memref<1x256x64xf32, #tpu.memory_space<hbm>>
    %dma_wait3A_51 = tpu.memref_squeeze %dma_wait3A_50 : memref<1x256x64xf32, #tpu.memory_space<hbm>> -> memref<256x64xf32, #tpu.memory_space<hbm>>
    tpu.wait_dma2 semaphore(%arg17 : memref<!tpu.dma_semaphore, #tpu.memory_space<semaphore_mem>>) src(%arg9 : memref<256x64xf32, #tpu.memory_space<vmem>>) dst(%dma_wait3A_51 : memref<256x64xf32, #tpu.memory_space<hbm>>)
    return
  }
}

</mosaic_0001>

<sc_bundles>
// kernel: kernel.3.cloned.1.call-start
scs
__scs_entry_jumppad:
0x0: {  	(pc) =	sbr.rel $0x88, $3  }
0x1: {  	(tag) =	ssettag $0x0;
	lr =	simm.s32 $0x1  }
0x2: {  	[smem:$0x3F9F] =	sst lr;
	_ =	strace $0xD0000000  }
0x3: {  	_ = 	snop  }
0x4: {  	_ = 	snop  }
0x5: {  	_ = 	snop  }
0x6: {  	_ = 	snop  }
0x7: {  	_ = 	snop  }
__scs_overlays_trampoline_lowered:
0x8: {  	[smem:$0x3FAE] =	sst s0  }
0x9: {  	[smem:$0x3FAF] =	sst s1  }
0xa: {  	[smem:$0x3FB0] =	sst s2  }
0xb: {  	[smem:$0x3FB1] =	sst s3  }
0xc: {  	[smem:$0x3FB2] =	sst s4  }
0xd: {  	[smem:$0x3FB3] =	sst s5  }
0xe: {  	[smem:$0x3FB4] =	sst s6  }
0xf: {  	[smem:$0x3FB5] =	sst s7  }
0x10: {  	[smem:$0x3FB6] =	sst s8  }
0x11: {  	[smem:$0x3FB7] =	sst s9;
	s0 =	simm.s32 @!p0 $0x0  }
0x12: {  	s1 =	sld [smem:$0x3F9D];
	s0 =	simm.s32 @p0 $0x1  }
0x13: {  	[smem:$0x3FB8] =	sst s0;
	s0 =	simm.s32 @!p1 $0x0  }
0x14: {  	s2 =	sld [smem:$0x3F9C];
	s0 =	simm.s32 @p1 $0x1  }
0x15: {  	[smem:$0x3FB9] =	sst s0;
	s0 =	simm.s32 @!p2 $0x0  }
0x16: {  	s3 =	sld [smem:$0x3FDB];
	s0 =	simm.s32 @p2 $0x1  }
0x17: {  	s4 =	simm.s32 $0x1BF5;
	[smem:$0x3FBB] =	sst s0  }
0x18: {  	s0 =	sld [smem:$0x3F9E];
	_ =	swait.ge [sflag:s4], $0x0  }
0x19: {  	s7 =	sld [smem:$0x3F9F]  }
0x1a: {  	s8 =	sadd.s32 $0xFFFFE003, lr  }
0x1b: {  	s9 =	sadd.s32 $0xFFFFFEF7, lr;
	s5 =	simm.s32 $0xFFFFFFFF;
	p2 =	slt.u32 s8, $0xFFFFF086  }
0x1c: {  	p1 =	slt.u32 s9, $0xF7A;
	s5 =	simm.s32 @!p2 $0x0  }
0x1d: {  	s5 =	simm.s32 @p1 $0x1;
	p0 =	seq.s32 s7, s2  }
0x1e: {  	s7 =	smul.u32 @!p0 $0xF7A, s2;
	p2 =	seq.s32 @!p0 s5, $0x0  }
0x1f: {  	s9 =	smul.u32 $0xF7A, s1;
	s8 =	simm.s32 @!p0 $0x1BF5;
	p2 =	por !p2, p0  }
0x20: {  	[sflag:s8] =	ssyncset.s32 @!p0 $0xFFFFF086;
	s6 =	sadd.s32 @!p0 s3, s7;
	s7 =	simm.s32 @!p0 $0x108  }
0x21: {  	s3 =	sadd.s32 s3, s9;
	s6 =	sadd.s32 @!p0 $0x88, s6;
	s7 =	simm.s32 @p2 $0x1082  }
0x22: {  	[simem:s7], [sflag:s8] =	dma.local @!p0 [hbm:s6], $0xF7A  }
0x23: {  	s9 =	sor.u32 $0xD0000000, s2;
	s6 =	simm.s32 $0x108;
	_ =	swait.ge @!p0 [sflag:s8], $0x0  }
0x24: {  	s3 =	sadd.s32 $0x88, s3;
	s6 =	simm.s32 @!p1 $0x1082;
	[sflag:s4] =	ssyncset.s32 $0xFFFFF086  }
0x25: {  	[simem:s6], [sflag:s4] =	dma.local [hbm:s3], $0xF7A  }
0x26: {  	[smem:$0x3F9F] =	sst s1;
	(tag) =	ssettag s2;
	_ =	strace s9  }
0x27: {  	s1 =	sld [smem:$0x3FAF]  }
0x28: {  	s2 =	sld [smem:$0x3FB0]  }
0x29: {  	s4 =	sld [smem:$0x3FB2]  }
0x2a: {  	p0 =	seq.s32 s5, $0x0;
	s5 =	sld [smem:$0x3FB3]  }
0x2b: {  	s6 =	sld [smem:$0x3FB4]  }
0x2c: {  	s7 =	sld [smem:$0x3FB5]  }
0x2d: {  	s3 =	simm.s32 $0x108;
	s8 =	sld [smem:$0x3FB6]  }
0x2e: {  	s3 =	simm.s32 @!p0 $0x1082;
	s9 =	sld [smem:$0x3FB7]  }
0x2f: {  	lr =	sadd.s32 s0, s3;
	s0 =	sld [smem:$0x3FAE]  }
0x30: {  	s3 =	sld [smem:$0x3FB1]  }
0x31: {  	[smem:$0x3FBA] =	sst s10  }
0x32: {  	s10 =	sld [smem:$0x3FB8];
	_ =	sdelay $0x3  }
0x33: {  	p0 =	seq.s32 s10, $0x1;
	s10 =	sld [smem:$0x3FBA];
	_ =	sdelay $0x3  }
0x34: {  	[smem:$0x3FBA] =	sst s10  }
0x35: {  	s10 =	sld [smem:$0x3FB9];
	_ =	sdelay $0x3  }
0x36: {  	p1 =	seq.s32 s10, $0x1;
	s10 =	sld [smem:$0x3FBA];
	_ =	sdelay $0x3  }
0x37: {  	[smem:$0x3FBA] =	sst s10  }
0x38: {  	s10 =	sld [smem:$0x3FBB]  }
0x39: {  	_ = 	snop;
	(pc) =	sbr.ind lr, $3  }
0x3a: {  	_ = 	snop  }
0x3b: {  	_ = 	snop  }
0x3c: {  	p2 =	seq.s32 s10, $0x1;
	s10 =	sld [smem:$0x3FBA]  }
0x3d: {  	_ =	shalt  }
0x3e: {  	_ =	shalt  }
0x3f: {  	_ =	shalt  }
0x40: {  	_ =	shalt  }
0x41: {  	_ =	shalt  }
0x42: {  	_ =	shalt  }
0x43: {  	_ =	shalt  }
0x44: {  	_ =	shalt  }
0x45: {  	_ =	shalt  }
0x46: {  	_ =	shalt  }
0x47: {  	_ =	shalt  }
0x48: {  	_ =	shalt  }
0x49: {  	_ =	shalt  }
0x4a: {  	_ =	shalt  }
0x4b: {  	_ =	shalt  }
0x4c: {  	_ =	shalt  }
0x4d: {  	_ =	shalt  }
0x4e: {  	_ =	shalt  }
0x4f: {  	_ =	shalt  }
0x50: {  	_ =	shalt  }
0x51: {  	_ =	shalt  }
0x52: {  	_ =	shalt  }
0x53: {  	_ =	shalt  }
0x54: {  	_ =	shalt  }
0x55: {  	_ =	shalt  }
0x56: {  	_ =	shalt  }
0x57: {  	_ =	shalt  }
0x58: {  	_ =	shalt  }
0x59: {  	_ =	shalt  }
0x5a: {  	_ =	shalt  }
0x5b: {  	_ =	shalt  }
0x5c: {  	_ =	shalt  }
0x5d: {  	_ =	shalt  }
0x5e: {  	_ =	shalt  }
0x5f: {  	_ =	shalt  }
0x60: {  	_ =	shalt  }
0x61: {  	_ =	shalt  }
0x62: {  	_ =	shalt  }
0x63: {  	_ =	shalt  }
0x64: {  	_ =	shalt  }
0x65: {  	_ =	shalt  }
0x66: {  	_ =	shalt  }
0x67: {  	_ =	shalt  }
0x68: {  	_ =	shalt  }
0x69: {  	_ =	shalt  }
0x6a: {  	_ =	shalt  }
0x6b: {  	_ =	shalt  }
0x6c: {  	_ =	shalt  }
0x6d: {  	_ =	shalt  }
0x6e: {  	_ =	shalt  }
0x6f: {  	_ =	shalt  }
0x70: {  	_ =	shalt  }
0x71: {  	_ =	shalt  }
0x72: {  	_ =	shalt  }
0x73: {  	_ =	shalt  }
0x74: {  	_ =	shalt  }
0x75: {  	_ =	shalt  }
0x76: {  	_ =	shalt  }
0x77: {  	_ =	shalt  }
0x78: {  	_ =	shalt  }
0x79: {  	_ =	shalt  }
0x7a: {  	_ =	shalt  }
0x7b: {  	_ =	shalt  }
0x7c: {  	_ =	shalt  }
0x7d: {  	_ =	shalt  }
0x7e: {  	_ =	shalt  }
0x7f: {  	_ =	shalt  }
0x80: {  	_ =	shalt  }
0x81: {  	_ =	shalt  }
0x82: {  	_ =	shalt  }
0x83: {  	_ =	shalt  }
0x84: {  	_ =	shalt  }
0x85: {  	_ =	shalt  }
0x86: {  	_ =	shalt  }
0x87: {  	_ =	shalt  }
.Lfunc_end0:
.L_simem_size_0:
called_computation.1_lowered:
.L_overlay_start_0:
0x88: {  	s2 =	sld [smem:$0x3FD9]  }
0x89: {  	s3 =	sld [smem:$0x3FFE];
	_ =	sdelay $0x1  }
0x8a: {  	s1 =	srdreg.scid  }
0x8b: {  	s0 =	sand.u32 $0x1, s1  }
0x8c: {  	s17 =	sshll.u32 s0, $0xA;
	s2 =	sadd.s32 s3, s2  }
0x8d: {  	s2 =	sadd.s32 s2, s17  }
0x8e: {  	[smem:$0x3FC6] =	sst s2  }
0x8f: {  	_ = 	snop  }
0x90: {  	s2 =	sld [smem:$0x3FD0];
	(tm) =	ssettm $0x1  }
0x91: {  	s18 =	sld [smem:$0x3FFB];
	_ =	sdelay $0x3  }
0x92: {  	_ =	strace s18  }
0x93: {  	s3 =	sld [smem:$0x3FFC];
	_ =	sdelay $0x3  }
0x94: {  	_ =	strace s3  }
0x95: {  	s3 =	sld [smem:$0x3FFD];
	_ =	sdelay $0x3  }
0x96: {  	_ =	strace s3  }
0x97: {  	_ =	strace $0x8FFFFFFF  }
0x98: {  	s19 =	sld [smem:$0x3FDB];
	_ =	sdelay $0x1  }
0x99: {  	s4 =	simm.s32 $_scs_section_size  }
0x9a: {  	s5 =	simm.s32 $_size__tile_overlayer_lowered;
	s6 =	simm.s32 $_tile_overlayer_lowered  }
0x9b: {  	s22 =	simm.s32 $0x1BFF;
	s21 =	sshll.u32 s6, $0x1;
	s3 =	sadd.s32 s4, s19  }
0x9c: {  	s7 =	simm.s32 $0x0;
	s20 =	sshll.u32 s5, $0x1;
	s5 =	sadd.s32 s21, s3  }
0x9d: {  	[timem:s7], [sflag:s22] =	dma.local [hbm:s5], s20  }
0x9e: {  	_ =	swait.ge [sflag:s22], s20  }
0x9f: {  	s4 =	ssub.s32 $0x0, s20;
	[sflag:s22] =	ssyncset.done $0x0  }
0xa0: {  	[sflag:s22] =	ssyncadd.s32 s4;
	_ =	sdelay $0x1  }
0xa1: {  	s23 =	simm.s32 $0x1B8B  }
0xa2: {  	_ =	swait.ge [sflag:s23], $0x1  }
0xa3: {  	[sflag:s23] =	ssyncset.done $0x0  }
0xa4: {  	s25 =	simm.s32 $0x1B8E;
	s24 =	sld [smem:$0x3FFE];
	[sflag:s23] =	ssyncadd.s32 $0xFFFFFFFF  }
0xa5: {  	s26 =	simm.s32 $execute0_lowered;
	[smem:$0x3FD2] =	sst s25  }
0xa6: {  	s5 =	sshll.u32 s26, $0x1;
	_ =	strace $0x80000046;
	[dreg:$0x1] =	wrdreg $0xFFFFFFFF  }
0xa7: {  	s28 =	simm.s32 $_size_execute0_lowered;
	s3 =	sadd.s32 s3, s5;
	[dreg:$0x0] =	wrdreg $0x0  }
0xa8: {  	s5 =	sshll.u32 s28, $0x1;
	[dreg:$0x2] =	wrdreg s3  }
0xa9: {  	[dreg:$0x3] =	wrdreg s5  }
0xaa: {  	[dreg:$0x4] =	wrdreg $0xC0  }
0xab: {  	_ =	task [dreg:s7], $0x5FFFF  }
0xac: {  	[dreg:$0x1] =	wrdreg $0xFFFFFFFF  }
0xad: {  	[dreg:$0x0] =	wrdreg $0x60  }
0xae: {  	[dreg:$0x2] =	wrdreg s24  }
0xaf: {  	[dreg:$0x3] =	wrdreg s2  }
0xb0: {  	[dreg:$0x4] =	wrdreg $0x9  }
0xb1: {  	_ =	task.clear_ibuf [dreg:s7], $0x5FFFF;
	_ =	strace $0x90000046  }
0xb2: {  	s29 =	simm.s32 $0x9;
	_ =	strace $0x80000048  }
0xb3: {  	_ =	swait.ge [sflag:s29], $0x1  }
0xb4: {  	[sflag:s29] =	ssyncadd.s32 $0xFFFFFFFF  }
0xb5: {  	_ =	strace $0x90000048  }
0xb6: {  	_ =	sfence  }
0xb7: {  	s30 =	sld [smem:$0x0];
	_ =	sdelay $0x2  }
0xb8: {  	s31 =	sshll.u32 s1, $0xD;
	s1 =	sshrl.u32 s1, $0x2  }
0xb9: {  	s3 =	sand.u32 $0x4000, s31;
	s1 =	sadd.s32 s1, s30  }
0xba: {  	s0 =	sor.u32 s3, s0;
	s1 =	sshll.u32 s1, $0x11  }
0xbb: {  	s0 =	sor.u32 s1, s0  }
0xbc: {  	s0 =	sadd.s32 $0x8F2B, s0  }
0xbd: {  	[sflag:s0] =	ssyncadd.remote.s32 $0x1  }
0xbe: {  	_ =	sfence.sel $0xFFFF  }
0xbf: {  	[dreg:$0x0] =	wrdreg $0xFFFFFFFF;
	(pc) =	sbr.abs _section_cstart, $3  }
0xc0: {  	[dreg:$0x1] =	wrdreg $0xFFFFFFFF  }
0xc1: {  	_ =	task.clear_ibuf [dreg:s7], $0x2FFFF;
	_ =	strace $0x9FFFFFFF  }
0xc2: {  	(tm) =	ssettm $0x7FFFFFFF  }
0xc3: {  	_ =	shalt  }
tec
execute0_lowered:
.L_overlay_start_1:
0x0: {  	(tag) =	ssettag $0x1  }
0x1: {  	s0 =	rddreg [dreg:$0x0]  }
0x2: {  	s1 =	srdreg.scid;
	s12 =	stileid.u32  }
0x3: {  	s11 =	rddreg [dreg:$0x1];
	s2 =	simm.s32 $0x0;
	s13 =	simm.s32 $0x9  }
0x4: {  	s14 =	simm.s32 $0x100;
	s15 =	simm.s32 $0x6400;
	s16 =	simm.s32 $0xA400  }
0x5: {  	s17 =	simm.s32 $0x1;
	s19 =	simm.s32 $0xE400;
	s20 =	simm.s32 $0x2  }
0x6: {  	s22 =	simm.s32 $0x12400;
	s23 =	simm.s32 $0x3;
	s24 =	simm.s32 $0x5  }
0x7: {  	s28 =	simm.s32 $0x6;
	s30 =	simm.s32 $0x7;
	s9 =	smul.u32 $0xC800, s12  }
0x8: {  	s1 =	sand.u32 $0x1, s1;
	s3 =	sshll.u32 s12, $0x1;
	s12 =	smul.u32 $0x64000, s12  }
0x9: {  	[smem:$0x7FF] =	sst s2;
	s4 =	sor.u32 s1, s3;
	s10 =	smul.u32 $0x6400, s1  }
0xa: {  	_ =	strace $0x80000047;
	s6 =	ssub.s32 $0x2, s1;
	s1 =	smul.u32 $0x32000, s1  }
0xb: {  	s31 =	simm.s32 $0x8;
	s3 =	sadd.s32 $0xF42E00, s0;
	s5 =	smul.u32 $0x6400, s4  }
0xc: {  	s8 =	sshrl.u32 s6, $0x1;
	s25 =	smul.u32 $0x32000, s4;
	s12 =	sadd.s32 s12, s11  }
0xd: {  	s6 =	ssub.s32 s6, s8;
	s29 =	sadd.s32 s10, s9;
	s1 =	sadd.s32 s1, s12  }
0xe: {  	s7 =	sshrl.u32 s5, $0x3;
	s26 =	sshll.u32 s5, $0x3;
	s5 =	sadd.s32 s11, s25  }
.Ltmp0:
0xf: {  	s6 =	smax.u32 s6, $0x1;
	s0 =	sadd.s32 s7, s0;
	(pc) =	sbr.rel .LBB2_1-.Ltmp0, $4  }
0x10: {  	s7 =	sadd.s32 $0x31800, s5;
	s4 =	sadd.s32 $0xA00, s0;
	s0 =	sadd.s32 s26, s11  }
0x11: {  	s9 =	sadd.s32 $0x1000, s5;
	s8 =	sadd.s32 $0x800, s0;
	s0 =	sshll.u32 s29, $0x3  }
0x12: {  	s10 =	sadd.s32 $0x1800, s5;
	s26 =	simm.s32 $0x4;
	s0 =	sadd.s32 s11, s0  }
0x13: {  	s18 =	sadd.s32 $0x2800, s0;
	s0 =	sadd.s32 $0x2000, s1;
	s1 =	simm.s32 $0x0  }
.LBB2_4:
0x14: {  	_ =	swait.ge [sflag:s26], $0x4000  }
0x15: {  	[sflag:s26] =	ssyncset.done $0x0  }
0x16: {  	[sflag:s26] =	ssyncadd.s32 $0xFFFFC000  }
0x17: {  	[hbm4b:s7+s2] =	stream.linear.scatter [tilespmem:s22], [sflag:$0x8], $0x4000, $0x38;
	[tilespmem:$0x16400] =	vst v63  }
0x18: {  	_ =	swait.ge [sflag:s24], $0x4000  }
0x19: {  	[sflag:s24] =	ssyncset.done $0x0  }
0x1a: {  	[sflag:s24] =	ssyncadd.s32 $0xFFFFC000  }
0x1b: {  	_ =	swait.ge [sflag:s28], $0x4000  }
0x1c: {  	[sflag:s28] =	ssyncset.done $0x0  }
0x1d: {  	s1 =	sadd.s32 $0x1, s1;
	[sflag:s28] =	ssyncadd.s32 $0xFFFFC000  }
0x1e: {  	p0 =	sne.s32 s1, s6;
	_ =	swait.ge [sflag:s30], $0x4000  }
.Ltmp1:
0x1f: {  	[sflag:s30] =	ssyncset.done $0x0;
	(pc) =	sbr.rel @!p0 .LBB2_5-.Ltmp1, $4  }
0x20: {  	[sflag:s30] =	ssyncadd.s32 $0xFFFFC000  }
0x21: {  	_ =	swait.ge [sflag:s31], $0x4000  }
0x22: {  	[sflag:s31] =	ssyncset.done $0x0  }
0x23: {  	[sflag:s31] =	ssyncadd.s32 $0xFFFFC000  }
.LBB2_1:
0x24: {  	[tilespmem:s2], [sflag:$0x9] =	stream.linear.gather [hbm4b:s4+s2], $0x6400, $0x38;
	[tilespmem:$0x16400] =	vst v63  }
0x25: {  	_ =	swait.ge [sflag:s13], $0x6400  }
0x26: {  	[sflag:s13] =	ssyncset.done $0x0  }
0x27: {  	[sflag:s13] =	ssyncadd.s32 $0xFFFF9C00  }
0x28: {  	[tilespmem:s15], [sflag:$0x1] =	stream.indirect.gather [hbm4b:s3+s14], $0x40, s2, s14, $0xb8;
	[tilespmem:$0x16400] =	vst v63  }
0x29: {  	_ = 	snop  }
0x2a: {  	[tilespmem:s16], [sflag:$0x2] =	stream.indirect.gather [hbm4b:s3+s14], $0x40, s14, s14, $0xb8;
	[tilespmem:$0x16400] =	vst v63  }
0x2b: {  	_ =	swait.ge [sflag:s17], $0x4000  }
0x2c: {  	[sflag:s17] =	ssyncset.done $0x0  }
0x2d: {  	[sflag:s17] =	ssyncadd.s32 $0xFFFFC000  }
0x2e: {  	[hbm4b:s5+s2] =	stream.linear.scatter [tilespmem:s15], [sflag:$0x5], $0x4000, $0x38;
	[tilespmem:$0x16400] =	vst v63  }
0x2f: {  	s11 =	simm.s32 $0x200  }
0x30: {  	[tilespmem:s19], [sflag:$0x3] =	stream.indirect.gather [hbm4b:s3+s14], $0x40, s11, s14, $0xb8;
	[tilespmem:$0x16400] =	vst v63  }
0x31: {  	_ =	swait.ge [sflag:s20], $0x4000  }
0x32: {  	[sflag:s20] =	ssyncset.done $0x0  }
0x33: {  	[sflag:s20] =	ssyncadd.s32 $0xFFFFC000  }
0x34: {  	[hbm4b:s8+s2] =	stream.linear.scatter [tilespmem:s16], [sflag:$0x6], $0x4000, $0x38;
	[tilespmem:$0x16400] =	vst v63  }
0x35: {  	s21 =	simm.s32 $0x300  }
0x36: {  	[tilespmem:s22], [sflag:$0x4] =	stream.indirect.gather [hbm4b:s3+s14], $0x40, s21, s14, $0xb8;
	[tilespmem:$0x16400] =	vst v63  }
0x37: {  	_ =	swait.ge [sflag:s23], $0x4000  }
0x38: {  	[sflag:s23] =	ssyncset.done $0x0  }
0x39: {  	[sflag:s23] =	ssyncadd.s32 $0xFFFFC000  }
0x3a: {  	[hbm4b:s9+s2] =	stream.linear.scatter [tilespmem:s19], [sflag:$0x7], $0x4000, $0x38;
	[tilespmem:$0x16400] =	vst v63  }
0x3b: {  	_ =	swait.ge [sflag:s24], $0x4000  }
0x3c: {  	[sflag:s24] =	ssyncset.done $0x0  }
0x3d: {  	s25 =	simm.s32 $0x400;
	[sflag:s24] =	ssyncadd.s32 $0xFFFFC000  }
0x3e: {  	[tilespmem:s15], [sflag:$0x1] =	stream.indirect.gather [hbm4b:s3+s14], $0x40, s25, s14, $0xb8;
	[tilespmem:$0x16400] =	vst v63  }
0x3f: {  	_ =	swait.ge [sflag:s26], $0x4000  }
0x40: {  	[sflag:s26] =	ssyncset.done $0x0  }
0x41: {  	[sflag:s26] =	ssyncadd.s32 $0xFFFFC000  }
0x42: {  	[hbm4b:s10+s2] =	stream.linear.scatter [tilespmem:s22], [sflag:$0x8], $0x4000, $0x38;
	[tilespmem:$0x16400] =	vst v63  }
0x43: {  	_ =	swait.ge [sflag:s28], $0x4000  }
0x44: {  	s29 =	simm.s32 $0x500;
	s12 =	smov.u32 s0;
	[sflag:s28] =	ssyncset.done $0x0  }
0x45: {  	s11 =	smov.u32 s18;
	s21 =	simm.s32 $0x0;
	[sflag:s28] =	ssyncadd.s32 $0xFFFFC000  }
0x46: {  	[tilespmem:s16], [sflag:$0x2] =	stream.indirect.gather [hbm4b:s3+s14], $0x40, s29, s14, $0xb8;
	[tilespmem:$0x16400] =	vst v63  }
.LBB2_2:
0x47: {  	_ =	swait.ge [sflag:s17], $0x4000  }
0x48: {  	[sflag:s17] =	ssyncset.done $0x0  }
0x49: {  	[sflag:s17] =	ssyncadd.s32 $0xFFFFC000  }
0x4a: {  	[hbm4b:s12+s2] =	stream.linear.scatter [tilespmem:s15], [sflag:$0x5], $0x4000, $0x38;
	[tilespmem:$0x16400] =	vst v63  }
0x4b: {  	_ =	swait.ge [sflag:s30], $0x4000  }
0x4c: {  	s25 =	sshra.s32 s21, $0x2;
	[sflag:s30] =	ssyncset.done $0x0  }
0x4d: {  	s29 =	sadd.s32 $0x600, s25;
	[sflag:s30] =	ssyncadd.s32 $0xFFFFC000  }
0x4e: {  	[tilespmem:s19], [sflag:$0x3] =	stream.indirect.gather [hbm4b:s3+s14], $0x40, s29, s14, $0xb8;
	[tilespmem:$0x16400] =	vst v63  }
0x4f: {  	_ =	swait.ge [sflag:s20], $0x4000  }
0x50: {  	[sflag:s20] =	ssyncset.done $0x0  }
0x51: {  	[sflag:s20] =	ssyncadd.s32 $0xFFFFC000  }
0x52: {  	[hbm4b:s11+s2] =	stream.linear.scatter [tilespmem:s16], [sflag:$0x6], $0x4000, $0x38;
	[tilespmem:$0x16400] =	vst v63  }
0x53: {  	_ =	swait.ge [sflag:s31], $0x4000  }
0x54: {  	[sflag:s31] =	ssyncset.done $0x0  }
0x55: {  	p0 =	seq.s32 s21, $0x17000;
	s29 =	sadd.s32 $0x700, s25;
	[sflag:s31] =	ssyncadd.s32 $0xFFFFC000  }
0x56: {  	[tilespmem:s22], [sflag:$0x4] =	stream.indirect.gather [hbm4b:s3+s14], $0x40, s29, s14, $0xb8;
	[tilespmem:$0x16400] =	vst v63  }
.Ltmp2:
0x57: {  	_ = 	snop;
	(pc) =	sbr.rel @p0 .LBB2_4-.Ltmp2, $4  }
0x58: {  	_ =	swait.ge [sflag:s23], $0x4000  }
0x59: {  	[sflag:s23] =	ssyncset.done $0x0  }
0x5a: {  	s29 =	sadd.s32 $0x1000, s12;
	[sflag:s23] =	ssyncadd.s32 $0xFFFFC000  }
0x5b: {  	[hbm4b:s29+s2] =	stream.linear.scatter [tilespmem:s19], [sflag:$0x7], $0x4000, $0x38;
	[tilespmem:$0x16400] =	vst v63  }
0x5c: {  	_ =	swait.ge [sflag:s24], $0x4000  }
0x5d: {  	[sflag:s24] =	ssyncset.done $0x0  }
0x5e: {  	s29 =	sadd.s32 $0x800, s25;
	[sflag:s24] =	ssyncadd.s32 $0xFFFFC000  }
0x5f: {  	[tilespmem:s15], [sflag:$0x1] =	stream.indirect.gather [hbm4b:s3+s14], $0x40, s29, s14, $0xb8;
	[tilespmem:$0x16400] =	vst v63  }
0x60: {  	_ =	swait.ge [sflag:s26], $0x4000  }
0x61: {  	[sflag:s26] =	ssyncset.done $0x0  }
0x62: {  	s29 =	sadd.s32 $0x1800, s12;
	[sflag:s26] =	ssyncadd.s32 $0xFFFFC000  }
0x63: {  	[hbm4b:s29+s2] =	stream.linear.scatter [tilespmem:s22], [sflag:$0x8], $0x4000, $0x38;
	[tilespmem:$0x16400] =	vst v63  }
.Ltmp3:
0x64: {  	_ = 	snop;
	(pc) =	sbr.rel .LBB2_2-.Ltmp3, $4  }
0x65: {  	_ =	swait.ge [sflag:s28], $0x4000  }
0x66: {  	s21 =	sadd.s32 $0x1000, s21;
	s11 =	sadd.s32 $0x2000, s11;
	[sflag:s28] =	ssyncset.done $0x0  }
0x67: {  	s12 =	sadd.s32 $0x2000, s12;
	s29 =	sadd.s32 $0x900, s25;
	[sflag:s28] =	ssyncadd.s32 $0xFFFFC000  }
0x68: {  	[tilespmem:s16], [sflag:$0x2] =	stream.indirect.gather [hbm4b:s3+s14], $0x40, s29, s14, $0xb8;
	[tilespmem:$0x16400] =	vst v63  }
.LBB2_5:
0x69: {  	_ =	sfence.sel $0x180000  }
0x6a: {  	[bflag:$0x0] =	sbarrier.arrive $0xFFFF  }
0x6b: {  	_ =	strace $0x90000047  }
0x6c: {  	s0 =	stileid.u32;
	[bflag:$0x2] =	sbarrier.arrive $0xFFFF  }
0x6d: {  	p0 =	sne.s32 s0, $0x0;
	s0 =	rddreg [dreg:$0x2]  }
0x6e: {  	s0 =	sadd.s32 @!p0 $0x100000, s0  }
0x6f: {  	[sflag:s0] =	ssyncadd.tile.s32 @!p0 $0x1;
	_ =	shalt  }
.Lfunc_end2:
_tile_overlayer_lowered:
.L_overlay_start_2:
0x70: {  	(tag) =	ssettag $0x2  }
0x71: {  	s0 =	rddreg [dreg:$0x0];
	s2 =	stileid.u32  }
0x72: {  	s1 =	rddreg [dreg:$0x1];
	p0 =	sne.s32 s2, $0x0  }
0x73: {  	s3 =	rddreg [dreg:$0x2];
	[bflag:$0x3] =	sbarrier.arrive $0xFFFF;
	s2 =	simm.s32 @!p0 $0x1C09  }
0x74: {  	[timem:s3], [sflag:s2] =	dma.local @!p0 [hbm:s0], s1  }
0x75: {  	s0 =	simm.s32 @!p0 $0x9  }
0x76: {  	_ =	swait.ge @!p0 [sflag:s0], s1  }
0x77: {  	s1 =	ssub.s32 @!p0 $0x0, s1;
	[sflag:s0] =	ssyncset.done @!p0 $0x0  }
0x78: {  	[sflag:s0] =	ssyncadd.s32 @!p0 s1  }
0x79: {  	[bflag:$0x3] =	sbarrier.arrive $0xFFFF  }
0x7a: {  	_ =	shalt  }

// kernel: sparse-core-data-format-call.cloned.1.call-start
scs
called_computation_lowered:
.L_overlay_start_0:
0x0: {  	s2 =	sld [smem:$0x3FD9]  }
0x1: {  	s3 =	sld [smem:$0x3FFE];
	_ =	sdelay $0x1  }
0x2: {  	s1 =	srdreg.scid  }
0x3: {  	s0 =	sand.u32 $0x1, s1  }
0x4: {  	s18 =	sshll.u32 s0, $0xA;
	s2 =	sadd.s32 s3, s2  }
0x5: {  	s2 =	sadd.s32 s2, s18  }
0x6: {  	[smem:$0x3FC6] =	sst s2  }
0x7: {  	_ = 	snop  }
0x8: {  	s2 =	sld [smem:$0x3FD0];
	(tm) =	ssettm $0x1  }
0x9: {  	s19 =	sld [smem:$0x3FFB];
	_ =	sdelay $0x3  }
0xa: {  	_ =	strace s19  }
0xb: {  	s3 =	sld [smem:$0x3FFC];
	_ =	sdelay $0x3  }
0xc: {  	_ =	strace s3  }
0xd: {  	s3 =	sld [smem:$0x3FFD];
	_ =	sdelay $0x3  }
0xe: {  	_ =	strace s3  }
0xf: {  	_ =	strace $0x8FFFFFFF  }
0x10: {  	s20 =	sld [smem:$0x3FDB];
	_ =	sdelay $0x1  }
0x11: {  	s4 =	simm.s32 $_scs_section_size  }
0x12: {  	s5 =	simm.s32 $_size__tile_overlayer_lowered;
	s6 =	simm.s32 $_tile_overlayer_lowered  }
0x13: {  	s23 =	simm.s32 $0x1BFF;
	s22 =	sshll.u32 s6, $0x1;
	s3 =	sadd.s32 s4, s20  }
0x14: {  	s7 =	simm.s32 $0x0;
	s21 =	sshll.u32 s5, $0x1;
	s5 =	sadd.s32 s22, s3  }
0x15: {  	[timem:s7], [sflag:s23] =	dma.local [hbm:s5], s21  }
0x16: {  	_ =	swait.ge [sflag:s23], s21  }
0x17: {  	s4 =	ssub.s32 $0x0, s21;
	[sflag:s23] =	ssyncset.done $0x0  }
0x18: {  	[sflag:s23] =	ssyncadd.s32 s4;
	_ =	sdelay $0x1  }
0x19: {  	s24 =	simm.s32 $0x1B8B  }
0x1a: {  	_ =	swait.ge [sflag:s24], $0x1  }
0x1b: {  	[sflag:s24] =	ssyncset.done $0x0  }
0x1c: {  	s26 =	simm.s32 $0x1B8E;
	s25 =	sld [smem:$0x3FFE];
	[sflag:s24] =	ssyncadd.s32 $0xFFFFFFFF  }
0x1d: {  	s27 =	simm.s32 $execute0_lowered;
	[smem:$0x3FD2] =	sst s26  }
0x1e: {  	s5 =	sshll.u32 s27, $0x1;
	_ =	strace $0x80000049;
	[dreg:$0x1] =	wrdreg $0xFFFFFFFF  }
0x1f: {  	s28 =	simm.s32 $_size_execute0_lowered;
	s3 =	sadd.s32 s3, s5;
	[dreg:$0x0] =	wrdreg $0x0  }
0x20: {  	s5 =	sshll.u32 s28, $0x1;
	[dreg:$0x2] =	wrdreg s3  }
0x21: {  	[dreg:$0x3] =	wrdreg s5  }
0x22: {  	[dreg:$0x4] =	wrdreg $0xC0  }
0x23: {  	_ =	task [dreg:s7], $0x5FFFF  }
0x24: {  	[dreg:$0x1] =	wrdreg $0xFFFFFFFF  }
0x25: {  	[dreg:$0x0] =	wrdreg $0x60  }
0x26: {  	[dreg:$0x2] =	wrdreg s25  }
0x27: {  	[dreg:$0x3] =	wrdreg s2  }
0x28: {  	[dreg:$0x4] =	wrdreg $0x9  }
0x29: {  	_ =	task.clear_ibuf [dreg:s7], $0x5FFFF;
	_ =	strace $0x90000049  }
0x2a: {  	s29 =	simm.s32 $0x9;
	_ =	strace $0x8000004B  }
0x2b: {  	_ =	swait.ge [sflag:s29], $0x1  }
0x2c: {  	[sflag:s29] =	ssyncadd.s32 $0xFFFFFFFF  }
0x2d: {  	_ =	strace $0x9000004B  }
0x2e: {  	_ =	sfence  }
0x2f: {  	s30 =	sld [smem:$0x0];
	_ =	sdelay $0x2  }
0x30: {  	s31 =	sshll.u32 s1, $0xD;
	s1 =	sshrl.u32 s1, $0x2  }
0x31: {  	s3 =	sand.u32 $0x4000, s31;
	s1 =	sadd.s32 s1, s30  }
0x32: {  	s0 =	sor.u32 s3, s0;
	s1 =	sshll.u32 s1, $0x11  }
0x33: {  	s0 =	sor.u32 s1, s0  }
0x34: {  	s0 =	sadd.s32 $0x8F2B, s0  }
0x35: {  	[sflag:s0] =	ssyncadd.remote.s32 $0x1  }
0x36: {  	_ =	sfence.sel $0xFFFF  }
0x37: {  	[dreg:$0x0] =	wrdreg $0xFFFFFFFF;
	(pc) =	sbr.abs _section_cstart, $3  }
0x38: {  	[dreg:$0x1] =	wrdreg $0xFFFFFFFF  }
0x39: {  	_ =	task.clear_ibuf [dreg:s7], $0x2FFFF;
	_ =	strace $0x9FFFFFFF  }
0x3a: {  	(tm) =	ssettm $0x7FFFFFFF  }
0x3b: {  	_ =	shalt  }
tec
execute0_lowered:
.L_overlay_start_1:
0x0: {  	(tag) =	ssettag $0x1  }
0x1: {  	s0 =	srdreg.scid  }
0x2: {  	s1 =	sshll.u32 s0, $0x4  }
0x3: {  	s5 =	rddreg [dreg:$0x0];
	s0 =	stileid.u32;
	s1 =	sand.u32 $0x10, s1  }
0x4: {  	s3 =	rddreg [dreg:$0x1];
	s31 =	simm.s32 $0x2;
	s4 =	sor.u32 s0, s1  }
0x5: {  	s13 =	simm.s32 $0x0;
	s9 =	simm.s32 $0x400;
	s2 =	sshll.u32 s4, $0x7  }
0x6: {  	s10 =	simm.s32 $0x8000;
	s14 =	simm.s32 $0x0;
	s6 =	ssub.s32 $0x1000, s2  }
0x7: {  	s1 =	rddreg [dreg:$0x2];
	_ =	strace $0x8000004A;
	s7 =	sand.u32 $0xF80, s6  }
0x8: {  	s4 =	sshll.u32 s4, $0xB;
	p0 =	sne.s32 s7, $0x0;
	s7 =	simm.s32 $0x1  }
.Ltmp0:
0x9: {  	s6 =	sshrl.u32 s6, $0xC;
	s7 =	simm.s32 @!p0 $0x0;
	(pc) =	sbr.rel .LBB1_1-.Ltmp0, $4  }
0xa: {  	s8 =	sadd.s32 s4, s5;
	s4 =	simm.s32 $0x1;
	s30 =	sadd.s32 s7, s6  }
0xb: {  	s11 =	simm.s32 $0x0;
	[sflag:s4] =	ssyncpa.u1 $0x0;
	s5 =	smul.u32 $0x64, s30  }
0xc: {  	s12 =	simm.s32 $0x0;
	[sflag:s31] =	ssyncpa.u1 $0x0;
	p0 =	por $0x0, $0x0  }
0xd: {  	s6 =	sadd.s32 $0xA00, s8;
	s7 =	sadd.s32 $0x10A00, s8;
	s8 =	sor.u32 $0x1, s5  }
.LBB1_7:
0xe: {  	s15 =	sadd.s32 $0x2, s11  }
0xf: {  	p2 =	sgt.s32 s15, $0xC7  }
0x10: {  	s15 =	simm.s32 @p2 $0x0;
	p2 =	sne.s32 s12, s8  }
.Ltmp1:
0x11: {  	p1 =	slt.u32 s12, $0x2;
	(pc) =	sbr.rel @!p2 .LBB1_8-.Ltmp1, $4  }
0x12: {  	s13 =	simm.s32 @!p1 $0x2  }
0x13: {  	s16 =	sadd.s32 $0x1, s12;
	s14 =	smov.u32 s11;
	_ =	swait.ge @!p1 [sflag:s13], $0x4000  }
0x14: {  	p0 =	por !p0, !p0;
	s12 =	smov.u32 s16;
	[sflag:s13] =	ssyncset.done @!p1 $0x0  }
0x15: {  	s11 =	smov.u32 s15;
	[sflag:s13] =	ssyncadd.s32 @!p1 $0xFFFFC000;
	s13 =	smov.u32 s2  }
.LBB1_1:
0x16: {  	p1 =	sge.u32 s12, s5  }
0x17: {  	s15 =	sxor.u32 @!p1 $0xFFFFFFFF, s12  }
0x18: {  	s16 =	sshll.u32 @!p1 s11, $0x10;
	s18 =	simm.s32 @!p1 $0x40;
	s15 =	sshll.u32 @!p1 s15, $0xE  }
0x19: {  	s19 =	simm.s32 @!p1 $0x80;
	s17 =	sadd.s32 @!p1 s16, s6;
	s15 =	sand.u32 @!p1 $0x4000, s15  }
0x1a: {  	[tilespmem:s15], [sflag:$0x1] =	stream.strided.gather @!p1 [hbm4b:s17+s18], $0x2000, s19, s18, $0x38;
	[tilespmem:$0x10100] =	vst v63  }
0x1b: {  	s31 =	sadd.s32 $0xFFFFFFFF, s12;
	s16 =	sadd.s32 @!p1 s16, s7;
	s15 =	sor.u32 @!p1 $0x2000, s15  }
0x1c: {  	[tilespmem:s15], [sflag:$0x1] =	stream.strided.gather @!p1 [hbm4b:s16+s18], $0x2000, s19, s18, $0x38;
	[tilespmem:$0x10100] =	vst v63  }
0x1d: {  	p1 =	sge.u32 s31, s5  }
.Ltmp2:
0x1e: {  	_ = 	snop;
	(pc) =	sbr.rel @p1 .LBB1_7-.Ltmp2, $1  }
0x1f: {  	_ =	sdelay $0x3  }
0x20: {  	s15 =	simm.s32 $0x1;
	s17 =	sand.u32 $0x1, s12  }
0x21: {  	_ =	swait.ge [sflag:s4], $0x4000;
	s15 =	simm.s32 @!p0 $0x0;
	s17 =	smul.u32 $0x10200, s17  }
0x22: {  	p2 =	por $0x1, $0x1;
	[sflag:s4] =	ssyncset.done $0x0;
	s16 =	smul.u32 $0x10200, s15  }
0x23: {  	s18 =	sshll.u32 s15, $0x10;
	[sflag:s4] =	ssyncadd.s32 $0xFFFFC000;
	s30 =	sshrl.u32 s17, $0x2  }
0x24: {  	s31 =	sshrl.u32 s18, $0x2;
	s18 =	simm.s32 $0x0;
	s16 =	sshrl.u32 s16, $0x2  }
0x25: {  	s15 =	sor.u32 $0x8000, s30;
	s17 =	sadd.s32 $0x20, s31;
	s16 =	sor.u32 $0x8000, s16  }
.LBB1_3:
0x26: {  	s19 =	sshll.u32 s18, $0xD  }
0x27: {  	s19 =	sand.u32 $0x3FFFE000, s19  }
0x28: {  	s21 =	sadd.s32 s19, s17  }
0x29: {  	s31 =	smul.u32 $0x8100, s18;
	v3 =	vld [tilespmem:s21+$0x10]  }
0x2a: {  	v1 =	vld [tilespmem:s21+$0xFFFFFFF0]  }
0x2b: {  	s18 =	sshra.s32 s31, $0x2;
	v0 =	vld [tilespmem:s21+$0x0]  }
0x2c: {  	s18 =	sadd.s32 s18, s16;
	v2 =	vld [tilespmem:s21+$0xFFFFFFE0]  }
0x2d: {  	s19 =	sadd.s32 $0x0, s18  }
0x2e: {  	p1 =	por p2, p2;
	s20 =	simm.s32 $0x4;
	s21 =	sadd.s32 $0x40, s21;
	[tilespmem:s19+$0x1830 ss:$0x81] =	vst.msk $0xffff, v3  }
.LBB1_4:
0x2f: {  	v3 =	vld [tilespmem:s21+$0x10];
	p2 =	sne.s32 s20, $0x1FC;
	[tilespmem:s19+$0x810 ss:$0x81] =	vst.msk $0xffff, v1;
	s22 =	smov.u32 s20;
	s20 =	sadd.s32 $0x4, s20  }
.Ltmp3:
0x30: {  	v1 =	vld [tilespmem:s21+$0xFFFFFFF0];
	[tilespmem:s19+$0x1020 ss:$0x81] =	vst.msk $0xffff, v0;
	(pc) =	sbr.rel @p2 .LBB1_4-.Ltmp3, $4  }
0x31: {  	v0 =	vld [tilespmem:s21+$0x0];
	[tilespmem:s19+$0x0 ss:$0x81] =	vst.msk $0xffff, v2  }
0x32: {  	s19 =	sshra.s32 s22, $0x2;
	v2 =	vld [tilespmem:s21+$0xFFFFFFE0]  }
0x33: {  	s19 =	sadd.s32 s19, s18  }
0x34: {  	s21 =	sadd.s32 $0x40, s21;
	[tilespmem:s19+$0x1830 ss:$0x81] =	vst.msk $0xffff, v3  }
.Ltmp4:
0x35: {  	(pc) =	sbr.rel @p1 .LBB1_3-.Ltmp4, $4  }
0x36: {  	_ = 	snop  }
0x37: {  	[tilespmem:s19+$0x810 ss:$0x81] =	vst.msk $0xffff, v1  }
0x38: {  	[tilespmem:s19+$0x1020 ss:$0x81] =	vst.msk $0xffff, v0  }
0x39: {  	s18 =	simm.s32 $0x1;
	p2 =	por $0x0, $0x0;
	[tilespmem:s19+$0x0 ss:$0x81] =	vst.msk $0xffff, v2  }
.Ltmp5:
0x3a: {  	(pc) =	sbr.rel .LBB1_7-.Ltmp5, $4  }
0x3b: {  	s14 =	sshll.u32 s14, $0xF  }
0x3c: {  	s14 =	sadd.s32 s3, s14  }
0x3d: {  	s13 =	sadd.s32 s13, s14  }
0x3e: {  	[hbm4b:s13+s9] =	stream.strided.scatter [tilespmem:s15], [sflag:$0x2], $0x4000, s10, s9, $0x20;
	[tilespmem:$0x10100] =	vst v63  }
.LBB1_8:
0x3f: {  	_ =	sfence.sel $0x180000  }
0x40: {  	s2 =	simm.s32 $0x1;
	[bflag:$0x0] =	sbarrier.arrive $0xFFFF  }
0x41: {  	s31 =	simm.s32 $0x2;
	[sflag:s2] =	ssyncpa.u1 $0x1  }
0x42: {  	[sflag:s31] =	ssyncpa.u1 $0x1  }
0x43: {  	p0 =	sne.s32 s0, $0x0;
	_ =	strace $0x9000004A  }
0x44: {  	s0 =	sadd.s32 @!p0 $0x100000, s1;
	[bflag:$0x2] =	sbarrier.arrive $0xFFFF  }
0x45: {  	[sflag:s0] =	ssyncadd.tile.s32 @!p0 $0x1;
	_ =	shalt  }
.Lfunc_end1:
_tile_overlayer_lowered:
.L_overlay_start_2:
0x46: {  	(tag) =	ssettag $0x2  }
0x47: {  	s0 =	rddreg [dreg:$0x0];
	s2 =	stileid.u32  }
0x48: {  	s1 =	rddreg [dreg:$0x1];
	p0 =	sne.s32 s2, $0x0  }
0x49: {  	s3 =	rddreg [dreg:$0x2];
	[bflag:$0x3] =	sbarrier.arrive $0xFFFF;
	s2 =	simm.s32 @!p0 $0x1C01  }
0x4a: {  	[timem:s3], [sflag:s2] =	dma.local @!p0 [hbm:s0], s1  }
0x4b: {  	s0 =	simm.s32 @!p0 $0x1  }
0x4c: {  	_ =	swait.ge @!p0 [sflag:s0], s1  }
0x4d: {  	s1 =	ssub.s32 @!p0 $0x0, s1;
	[sflag:s0] =	ssyncset.done @!p0 $0x0  }
0x4e: {  	[sflag:s0] =	ssyncadd.s32 @!p0 s1  }
0x4f: {  	[bflag:$0x3] =	sbarrier.arrive $0xFFFF  }
0x50: {  	_ =	shalt  }

</sc_bundles>
